<compile_context>
chip_gen: v7x
topology: tpu7x:2x2x1
jax: 0.10.2.dev20260603
libtpu: 0.0.44.dev20260713+nightly
codegen_flags: <defaults>
</compile_context>

<pallas_src>
import functools

import jax
import jax.numpy as jnp
from jax import lax
from jax.experimental import pallas as pl
from jax.experimental.pallas import tpu as pltpu
from jax.experimental.pallas import tpu_sc as plsc

EDIM = 32
OUT_DIM = 64
PACK = 4
PEDIM = PACK * EDIM

_info = plsc.get_sparse_core_info()
_NC, _NS = _info.num_cores, _info.num_subcores
_NW = _NC * _NS


@functools.partial(jax.jit, static_argnames=("chunk",))
def _sc_gather_rows(idx4, table128, chunk=512):
    n = idx4.shape[0]
    b_per_w = n // _NW
    nchunks = b_per_w // chunk
    assert nchunks * chunk * _NW == n

    mesh = plsc.VectorSubcoreMesh(core_axis_name="c", subcore_axis_name="s")

    @functools.partial(
        pl.kernel,
        mesh=mesh,
        out_type=jax.ShapeDtypeStruct((n, PEDIM), jnp.float32),
        scratch_types=[
            pltpu.VMEM((chunk,), jnp.int32),
            pltpu.VMEM((chunk, PEDIM), jnp.float32),
            pltpu.SemaphoreType.DMA,
        ],
    )
    def gather_kernel(idx_hbm, table_hbm, out_hbm, idx_v, rows_v, sem):
        wid = lax.axis_index("s") * _NC + lax.axis_index("c")
        base = wid * b_per_w
        for i in range(nchunks):
            off = base + i * chunk
            pltpu.sync_copy(idx_hbm.at[pl.ds(off, chunk)], idx_v)
            pltpu.async_copy(table_hbm.at[idx_v], rows_v, sem).wait()
            pltpu.sync_copy(rows_v, out_hbm.at[pl.ds(off, chunk)])

    return gather_kernel(idx4, table128)


def _tc_project(g2, sel, w4, bblk=512):
    batch, hist = sel.shape
    rows = bblk * hist

    def mm_kernel(a_ref, sel_ref, w_ref, o_ref):
        a = a_ref[...]
        sel3 = sel_ref[...][:, :, None]
        acc = jnp.zeros((bblk, hist, OUT_DIM), jnp.float32)
        for k in range(PACK):
            ak = jnp.dot(a, w_ref[k], preferred_element_type=jnp.float32)
            acc = acc + jnp.where(sel3 == k, ak.reshape(bblk, hist, OUT_DIM), 0.0)
        o_ref[...] = acc

    return pl.pallas_call(
        mm_kernel,
        grid=(batch // bblk,),
        in_specs=[
            pl.BlockSpec((rows, PEDIM), lambda i: (i, 0)),
            pl.BlockSpec((bblk, hist), lambda i: (i, 0)),
            pl.BlockSpec((PACK, PEDIM, OUT_DIM), lambda i: (0, 0, 0)),
        ],
        out_specs=pl.BlockSpec((bblk, hist, OUT_DIM), lambda i: (i, 0, 0)),
        out_shape=jax.ShapeDtypeStruct((batch, hist, OUT_DIM), jnp.float32),
    )(g2, sel, w4)


def kernel(token_ids, emb_weight, proj_weight, scale):
    batch, hist = token_ids.shape
    vocab = emb_weight.shape[0]
    ids = token_ids.reshape(-1).astype(jnp.int32)
    idx4 = ids // PACK
    sel = (ids % PACK).reshape(batch, hist)
    table128 = emb_weight.reshape(vocab // PACK, PEDIM)

    base = proj_weight.T.astype(jnp.float32) * scale.astype(jnp.float32)
    w4 = jnp.zeros((PACK, PEDIM, OUT_DIM), jnp.float32)
    for k in range(PACK):
        w4 = w4.at[k, k * EDIM:(k + 1) * EDIM, :].set(base)

    g2 = _sc_gather_rows(idx4, table128)
    return _tc_project(g2, sel, w4)

# --- scband reference (transcript-rebuilt; emitter-appended) ---
"""Pipeline reference for scband-value-embedding-54975581389131 (READ-ONLY COPY).

The authoritative reference and input builder live on the scoring server;
editing this copy changes nothing except your own understanding.
"""

import jax, jax.numpy as jnp
import numpy as np

VOCAB = 1000000
EDIM = 32
OUT_DIM = 64
BATCH = 16384
HIST = 20


def setup_inputs(seed: int = 0) -> dict:
    key = jax.random.key(seed)
    k_idx, k_emb = jax.random.split(key, 2)
    token_ids = jax.random.randint(k_idx, (BATCH, HIST), 0, VOCAB, dtype=jnp.int64 if jax.config.jax_enable_x64 else jnp.int32)
    emb_weight = jax.random.normal(k_emb, (VOCAB, EDIM), dtype=jnp.float32) * 0.01
    proj_weight = jnp.zeros((OUT_DIM, EDIM), dtype=jnp.float32)  # nn.init.zeros_ per module init
    scale = jnp.asarray(0.1, dtype=jnp.float32)
    return {"token_ids": token_ids, "emb_weight": emb_weight, "proj_weight": proj_weight, "scale": scale}


def reference(token_ids, emb_weight, proj_weight, scale):
    # h = self.emb(token_ids)
    h = jnp.take(emb_weight, token_ids, axis=0)
    # h = self.proj(h)  (Linear without bias: h @ W.T)
    h = h @ proj_weight.T
    # return h * self.scale
    return h * scale.astype(h.dtype)

if __name__ == "__main__":
    import jax
    _d = setup_inputs()
    print(jax.jit(kernel)(*tuple(_d.values())))

</pallas_src>

<mosaic_0001>
#map = affine_map<(d0, d1) -> (0)>
#map1 = affine_map<(d0, d1) -> (0, 0)>
module attributes {stable_mosaic.version = 14 : i64} {
  func.func @gather_kernel(%arg0: i32, %arg1: i32, %arg2: memref<327680xi32, #tpu.memory_space<hbm>>, %arg3: memref<250000x128xf32, #tpu.memory_space<hbm>>, %arg4: memref<327680x128xf32, #tpu.memory_space<hbm>>, %arg5: memref<512xi32, #tpu.memory_space<vmem>>, %arg6: memref<512x128xf32, #tpu.memory_space<vmem>>, %arg7: memref<!tpu.dma_semaphore, #tpu.memory_space<semaphore_mem>>) attributes {dimension_semantics = [#tpu.dimension_semantics<core_parallel>, #tpu.dimension_semantics<subcore_parallel>], iteration_bounds = array<i64: 2, 16>, scalar_prefetch = 0 : i64, scratch_operands = 3 : i64, tpu.core_type = #tpu.core_type<sc_vector_subcore>, window_params = [{transform_indices = #map}, {transform_indices = #map1}, {transform_indices = #map1}]} {
    %mul3A = arith.constant 2 : i32
    %mul3A_0 = arith.muli %arg1, %mul3A : i32
    %add3A = arith.addi %mul3A_0, %arg0 : i32
    %mul3A_1 = arith.constant 10240 : i32
    %mul3A_2 = arith.muli %add3A, %mul3A_1 : i32
    %add3A_3 = arith.constant 0 : i32
    %add3A_4 = arith.addi %mul3A_2, %add3A_3 : i32
    "tpu.region"() ({
      %run_scoped3A = tpu.sem_alloc : memref<!tpu.dma_semaphore, #tpu.memory_space<semaphore_mem>>
      %dma_start3A_161 = tpu.memref_slice %arg2[%add3A_4] : memref<327680xi32, #tpu.memory_space<hbm>> -> memref<512xi32, #tpu.memory_space<hbm>>
      %dma_start3A_162 = tpu.memref_slice %arg2[%add3A_4] : memref<327680xi32, #tpu.memory_space<hbm>> -> memref<512xi32, #tpu.memory_space<hbm>>
      tpu.enqueue_dma source(%dma_start3A_162 : memref<512xi32, #tpu.memory_space<hbm>>) target(%arg5 : memref<512xi32, #tpu.memory_space<vmem>>) target_semaphore(%run_scoped3A : memref<!tpu.dma_semaphore, #tpu.memory_space<semaphore_mem>>)
      %dma_wait3A_163 = tpu.memref_slice %arg2[%add3A_4] : memref<327680xi32, #tpu.memory_space<hbm>> -> memref<512xi32, #tpu.memory_space<hbm>>
      %dma_wait3A_164 = tpu.memref_slice %arg2[%add3A_4] : memref<327680xi32, #tpu.memory_space<hbm>> -> memref<512xi32, #tpu.memory_space<hbm>>
      tpu.wait_dma2 semaphore(%run_scoped3A : memref<!tpu.dma_semaphore, #tpu.memory_space<semaphore_mem>>) src(%dma_wait3A_164 : memref<512xi32, #tpu.memory_space<hbm>>) dst(%arg5 : memref<512xi32, #tpu.memory_space<vmem>>)
      tpu.yield
    }) : () -> ()
    %dma_start3A = arith.constant 0 : i32
    %dma_start3A_5 = arith.constant 0 : i32
    %dma_start3A_6 = tpu.memref_slice %arg3[%dma_start3A, %dma_start3A_5] : memref<250000x128xf32, #tpu.memory_space<hbm>> -> memref<250000x128xf32, #tpu.memory_space<hbm>>
    tpu.enqueue_indirect_dma source(%dma_start3A_6 : memref<250000x128xf32, #tpu.memory_space<hbm>>) target(%arg6 : memref<512x128xf32, #tpu.memory_space<vmem>>) offsets(%arg5 : memref<512xi32, #tpu.memory_space<vmem>>) semaphore(%arg7 : memref<!tpu.dma_semaphore, #tpu.memory_space<semaphore_mem>>)
    %dma_wait3A = arith.constant 0 : i32
    %dma_wait3A_7 = arith.constant 0 : i32
    %dma_wait3A_8 = tpu.memref_slice %arg3[%dma_wait3A, %dma_wait3A_7] : memref<250000x128xf32, #tpu.memory_space<hbm>> -> memref<250000x128xf32, #tpu.memory_space<hbm>>
    tpu.wait_indirect_dma semaphore(%arg7 : memref<!tpu.dma_semaphore, #tpu.memory_space<semaphore_mem>>) src(%dma_wait3A_8 : memref<250000x128xf32, #tpu.memory_space<hbm>>) dst(%arg6 : memref<512x128xf32, #tpu.memory_space<vmem>>)
    "tpu.region"() ({
      %run_scoped3A = tpu.sem_alloc : memref<!tpu.dma_semaphore, #tpu.memory_space<semaphore_mem>>
      %dma_start3A_161 = arith.constant 0 : i32
      %dma_start3A_162 = tpu.memref_slice %arg4[%add3A_4, %dma_start3A_161] : memref<327680x128xf32, #tpu.memory_space<hbm>> -> memref<512x128xf32, #tpu.memory_space<hbm>>
      %dma_start3A_163 = arith.constant 0 : i32
      %dma_start3A_164 = tpu.memref_slice %arg4[%add3A_4, %dma_start3A_163] : memref<327680x128xf32, #tpu.memory_space<hbm>> -> memref<512x128xf32, #tpu.memory_space<hbm>>
      tpu.enqueue_dma source(%arg6 : memref<512x128xf32, #tpu.memory_space<vmem>>) target(%dma_start3A_164 : memref<512x128xf32, #tpu.memory_space<hbm>>) target_semaphore(%run_scoped3A : memref<!tpu.dma_semaphore, #tpu.memory_space<semaphore_mem>>)
      %dma_wait3A_165 = arith.constant 0 : i32
      %dma_wait3A_166 = tpu.memref_slice %arg4[%add3A_4, %dma_wait3A_165] : memref<327680x128xf32, #tpu.memory_space<hbm>> -> memref<512x128xf32, #tpu.memory_space<hbm>>
      %dma_wait3A_167 = arith.constant 0 : i32
      %dma_wait3A_168 = tpu.memref_slice %arg4[%add3A_4, %dma_wait3A_167] : memref<327680x128xf32, #tpu.memory_space<hbm>> -> memref<512x128xf32, #tpu.memory_space<hbm>>
      tpu.wait_dma2 semaphore(%run_scoped3A : memref<!tpu.dma_semaphore, #tpu.memory_space<semaphore_mem>>) src(%arg6 : memref<512x128xf32, #tpu.memory_space<vmem>>) dst(%dma_wait3A_168 : memref<512x128xf32, #tpu.memory_space<hbm>>)
      tpu.yield
    }) : () -> ()
    %add3A_9 = arith.constant 512 : i32
    %add3A_10 = arith.addi %mul3A_2, %add3A_9 : i32
    "tpu.region"() ({
      %run_scoped3A = tpu.sem_alloc : memref<!tpu.dma_semaphore, #tpu.memory_space<semaphore_mem>>
      %dma_start3A_161 = tpu.memref_slice %arg2[%add3A_10] : memref<327680xi32, #tpu.memory_space<hbm>> -> memref<512xi32, #tpu.memory_space<hbm>>
      %dma_start3A_162 = tpu.memref_slice %arg2[%add3A_10] : memref<327680xi32, #tpu.memory_space<hbm>> -> memref<512xi32, #tpu.memory_space<hbm>>
      tpu.enqueue_dma source(%dma_start3A_162 : memref<512xi32, #tpu.memory_space<hbm>>) target(%arg5 : memref<512xi32, #tpu.memory_space<vmem>>) target_semaphore(%run_scoped3A : memref<!tpu.dma_semaphore, #tpu.memory_space<semaphore_mem>>)
      %dma_wait3A_163 = tpu.memref_slice %arg2[%add3A_10] : memref<327680xi32, #tpu.memory_space<hbm>> -> memref<512xi32, #tpu.memory_space<hbm>>
      %dma_wait3A_164 = tpu.memref_slice %arg2[%add3A_10] : memref<327680xi32, #tpu.memory_space<hbm>> -> memref<512xi32, #tpu.memory_space<hbm>>
      tpu.wait_dma2 semaphore(%run_scoped3A : memref<!tpu.dma_semaphore, #tpu.memory_space<semaphore_mem>>) src(%dma_wait3A_164 : memref<512xi32, #tpu.memory_space<hbm>>) dst(%arg5 : memref<512xi32, #tpu.memory_space<vmem>>)
      tpu.yield
    }) : () -> ()
    %dma_start3A_11 = arith.constant 0 : i32
    %dma_start3A_12 = arith.constant 0 : i32
    %dma_start3A_13 = tpu.memref_slice %arg3[%dma_start3A_11, %dma_start3A_12] : memref<250000x128xf32, #tpu.memory_space<hbm>> -> memref<250000x128xf32, #tpu.memory_space<hbm>>
    tpu.enqueue_indirect_dma source(%dma_start3A_13 : memref<250000x128xf32, #tpu.memory_space<hbm>>) target(%arg6 : memref<512x128xf32, #tpu.memory_space<vmem>>) offsets(%arg5 : memref<512xi32, #tpu.memory_space<vmem>>) semaphore(%arg7 : memref<!tpu.dma_semaphore, #tpu.memory_space<semaphore_mem>>)
    %dma_wait3A_14 = arith.constant 0 : i32
    %dma_wait3A_15 = arith.constant 0 : i32
    %dma_wait3A_16 = tpu.memref_slice %arg3[%dma_wait3A_14, %dma_wait3A_15] : memref<250000x128xf32, #tpu.memory_space<hbm>> -> memref<250000x128xf32, #tpu.memory_space<hbm>>
    tpu.wait_indirect_dma semaphore(%arg7 : memref<!tpu.dma_semaphore, #tpu.memory_space<semaphore_mem>>) src(%dma_wait3A_16 : memref<250000x128xf32, #tpu.memory_space<hbm>>) dst(%arg6 : memref<512x128xf32, #tpu.memory_space<vmem>>)
    "tpu.region"() ({
      %run_scoped3A = tpu.sem_alloc : memref<!tpu.dma_semaphore, #tpu.memory_space<semaphore_mem>>
      %dma_start3A_161 = arith.constant 0 : i32
      %dma_start3A_162 = tpu.memref_slice %arg4[%add3A_10, %dma_start3A_161] : memref<327680x128xf32, #tpu.memory_space<hbm>> -> memref<512x128xf32, #tpu.memory_space<hbm>>
      %dma_start3A_163 = arith.constant 0 : i32
      %dma_start3A_164 = tpu.memref_slice %arg4[%add3A_10, %dma_start3A_163] : memref<327680x128xf32, #tpu.memory_space<hbm>> -> memref<512x128xf32, #tpu.memory_space<hbm>>
      tpu.enqueue_dma source(%arg6 : memref<512x128xf32, #tpu.memory_space<vmem>>) target(%dma_start3A_164 : memref<512x128xf32, #tpu.memory_space<hbm>>) target_semaphore(%run_scoped3A : memref<!tpu.dma_semaphore, #tpu.memory_space<semaphore_mem>>)
      %dma_wait3A_165 = arith.constant 0 : i32
      %dma_wait3A_166 = tpu.memref_slice %arg4[%add3A_10, %dma_wait3A_165] : memref<327680x128xf32, #tpu.memory_space<hbm>> -> memref<512x128xf32, #tpu.memory_space<hbm>>
      %dma_wait3A_167 = arith.constant 0 : i32
      %dma_wait3A_168 = tpu.memref_slice %arg4[%add3A_10, %dma_wait3A_167] : memref<327680x128xf32, #tpu.memory_space<hbm>> -> memref<512x128xf32, #tpu.memory_space<hbm>>
      tpu.wait_dma2 semaphore(%run_scoped3A : memref<!tpu.dma_semaphore, #tpu.memory_space<semaphore_mem>>) src(%arg6 : memref<512x128xf32, #tpu.memory_space<vmem>>) dst(%dma_wait3A_168 : memref<512x128xf32, #tpu.memory_space<hbm>>)
      tpu.yield
    }) : () -> ()
    %add3A_17 = arith.constant 1024 : i32
    %add3A_18 = arith.addi %mul3A_2, %add3A_17 : i32
    "tpu.region"() ({
      %run_scoped3A = tpu.sem_alloc : memref<!tpu.dma_semaphore, #tpu.memory_space<semaphore_mem>>
      %dma_start3A_161 = tpu.memref_slice %arg2[%add3A_18] : memref<327680xi32, #tpu.memory_space<hbm>> -> memref<512xi32, #tpu.memory_space<hbm>>
      %dma_start3A_162 = tpu.memref_slice %arg2[%add3A_18] : memref<327680xi32, #tpu.memory_space<hbm>> -> memref<512xi32, #tpu.memory_space<hbm>>
      tpu.enqueue_dma source(%dma_start3A_162 : memref<512xi32, #tpu.memory_space<hbm>>) target(%arg5 : memref<512xi32, #tpu.memory_space<vmem>>) target_semaphore(%run_scoped3A : memref<!tpu.dma_semaphore, #tpu.memory_space<semaphore_mem>>)
      %dma_wait3A_163 = tpu.memref_slice %arg2[%add3A_18] : memref<327680xi32, #tpu.memory_space<hbm>> -> memref<512xi32, #tpu.memory_space<hbm>>
      %dma_wait3A_164 = tpu.memref_slice %arg2[%add3A_18] : memref<327680xi32, #tpu.memory_space<hbm>> -> memref<512xi32, #tpu.memory_space<hbm>>
      tpu.wait_dma2 semaphore(%run_scoped3A : memref<!tpu.dma_semaphore, #tpu.memory_space<semaphore_mem>>) src(%dma_wait3A_164 : memref<512xi32, #tpu.memory_space<hbm>>) dst(%arg5 : memref<512xi32, #tpu.memory_space<vmem>>)
      tpu.yield
    }) : () -> ()
    %dma_start3A_19 = arith.constant 0 : i32
    %dma_start3A_20 = arith.constant 0 : i32
    %dma_start3A_21 = tpu.memref_slice %arg3[%dma_start3A_19, %dma_start3A_20] : memref<250000x128xf32, #tpu.memory_space<hbm>> -> memref<250000x128xf32, #tpu.memory_space<hbm>>
    tpu.enqueue_indirect_dma source(%dma_start3A_21 : memref<250000x128xf32, #tpu.memory_space<hbm>>) target(%arg6 : memref<512x128xf32, #tpu.memory_space<vmem>>) offsets(%arg5 : memref<512xi32, #tpu.memory_space<vmem>>) semaphore(%arg7 : memref<!tpu.dma_semaphore, #tpu.memory_space<semaphore_mem>>)
    %dma_wait3A_22 = arith.constant 0 : i32
    %dma_wait3A_23 = arith.constant 0 : i32
    %dma_wait3A_24 = tpu.memref_slice %arg3[%dma_wait3A_22, %dma_wait3A_23] : memref<250000x128xf32, #tpu.memory_space<hbm>> -> memref<250000x128xf32, #tpu.memory_space<hbm>>
    tpu.wait_indirect_dma semaphore(%arg7 : memref<!tpu.dma_semaphore, #tpu.memory_space<semaphore_mem>>) src(%dma_wait3A_24 : memref<250000x128xf32, #tpu.memory_space<hbm>>) dst(%arg6 : memref<512x128xf32, #tpu.memory_space<vmem>>)
    "tpu.region"() ({
      %run_scoped3A = tpu.sem_alloc : memref<!tpu.dma_semaphore, #tpu.memory_space<semaphore_mem>>
      %dma_start3A_161 = arith.constant 0 : i32
      %dma_start3A_162 = tpu.memref_slice %arg4[%add3A_18, %dma_start3A_161] : memref<327680x128xf32, #tpu.memory_space<hbm>> -> memref<512x128xf32, #tpu.memory_space<hbm>>
      %dma_start3A_163 = arith.constant 0 : i32
      %dma_start3A_164 = tpu.memref_slice %arg4[%add3A_18, %dma_start3A_163] : memref<327680x128xf32, #tpu.memory_space<hbm>> -> memref<512x128xf32, #tpu.memory_space<hbm>>
      tpu.enqueue_dma source(%arg6 : memref<512x128xf32, #tpu.memory_space<vmem>>) target(%dma_start3A_164 : memref<512x128xf32, #tpu.memory_space<hbm>>) target_semaphore(%run_scoped3A : memref<!tpu.dma_semaphore, #tpu.memory_space<semaphore_mem>>)
      %dma_wait3A_165 = arith.constant 0 : i32
      %dma_wait3A_166 = tpu.memref_slice %arg4[%add3A_18, %dma_wait3A_165] : memref<327680x128xf32, #tpu.memory_space<hbm>> -> memref<512x128xf32, #tpu.memory_space<hbm>>
      %dma_wait3A_167 = arith.constant 0 : i32
      %dma_wait3A_168 = tpu.memref_slice %arg4[%add3A_18, %dma_wait3A_167] : memref<327680x128xf32, #tpu.memory_space<hbm>> -> memref<512x128xf32, #tpu.memory_space<hbm>>
      tpu.wait_dma2 semaphore(%run_scoped3A : memref<!tpu.dma_semaphore, #tpu.memory_space<semaphore_mem>>) src(%arg6 : memref<512x128xf32, #tpu.memory_space<vmem>>) dst(%dma_wait3A_168 : memref<512x128xf32, #tpu.memory_space<hbm>>)
      tpu.yield
    }) : () -> ()
    %add3A_25 = arith.constant 1536 : i32
    %add3A_26 = arith.addi %mul3A_2, %add3A_25 : i32
    "tpu.region"() ({
      %run_scoped3A = tpu.sem_alloc : memref<!tpu.dma_semaphore, #tpu.memory_space<semaphore_mem>>
      %dma_start3A_161 = tpu.memref_slice %arg2[%add3A_26] : memref<327680xi32, #tpu.memory_space<hbm>> -> memref<512xi32, #tpu.memory_space<hbm>>
      %dma_start3A_162 = tpu.memref_slice %arg2[%add3A_26] : memref<327680xi32, #tpu.memory_space<hbm>> -> memref<512xi32, #tpu.memory_space<hbm>>
      tpu.enqueue_dma source(%dma_start3A_162 : memref<512xi32, #tpu.memory_space<hbm>>) target(%arg5 : memref<512xi32, #tpu.memory_space<vmem>>) target_semaphore(%run_scoped3A : memref<!tpu.dma_semaphore, #tpu.memory_space<semaphore_mem>>)
      %dma_wait3A_163 = tpu.memref_slice %arg2[%add3A_26] : memref<327680xi32, #tpu.memory_space<hbm>> -> memref<512xi32, #tpu.memory_space<hbm>>
      %dma_wait3A_164 = tpu.memref_slice %arg2[%add3A_26] : memref<327680xi32, #tpu.memory_space<hbm>> -> memref<512xi32, #tpu.memory_space<hbm>>
      tpu.wait_dma2 semaphore(%run_scoped3A : memref<!tpu.dma_semaphore, #tpu.memory_space<semaphore_mem>>) src(%dma_wait3A_164 : memref<512xi32, #tpu.memory_space<hbm>>) dst(%arg5 : memref<512xi32, #tpu.memory_space<vmem>>)
      tpu.yield
    }) : () -> ()
    %dma_start3A_27 = arith.constant 0 : i32
    %dma_start3A_28 = arith.constant 0 : i32
    %dma_start3A_29 = tpu.memref_slice %arg3[%dma_start3A_27, %dma_start3A_28] : memref<250000x128xf32, #tpu.memory_space<hbm>> -> memref<250000x128xf32, #tpu.memory_space<hbm>>
    tpu.enqueue_indirect_dma source(%dma_start3A_29 : memref<250000x128xf32, #tpu.memory_space<hbm>>) target(%arg6 : memref<512x128xf32, #tpu.memory_space<vmem>>) offsets(%arg5 : memref<512xi32, #tpu.memory_space<vmem>>) semaphore(%arg7 : memref<!tpu.dma_semaphore, #tpu.memory_space<semaphore_mem>>)
    %dma_wait3A_30 = arith.constant 0 : i32
    %dma_wait3A_31 = arith.constant 0 : i32
    %dma_wait3A_32 = tpu.memref_slice %arg3[%dma_wait3A_30, %dma_wait3A_31] : memref<250000x128xf32, #tpu.memory_space<hbm>> -> memref<250000x128xf32, #tpu.memory_space<hbm>>
    tpu.wait_indirect_dma semaphore(%arg7 : memref<!tpu.dma_semaphore, #tpu.memory_space<semaphore_mem>>) src(%dma_wait3A_32 : memref<250000x128xf32, #tpu.memory_space<hbm>>) dst(%arg6 : memref<512x128xf32, #tpu.memory_space<vmem>>)
    "tpu.region"() ({
      %run_scoped3A = tpu.sem_alloc : memref<!tpu.dma_semaphore, #tpu.memory_space<semaphore_mem>>
      %dma_start3A_161 = arith.constant 0 : i32
      %dma_start3A_162 = tpu.memref_slice %arg4[%add3A_26, %dma_start3A_161] : memref<327680x128xf32, #tpu.memory_space<hbm>> -> memref<512x128xf32, #tpu.memory_space<hbm>>
      %dma_start3A_163 = arith.constant 0 : i32
      %dma_start3A_164 = tpu.memref_slice %arg4[%add3A_26, %dma_start3A_163] : memref<327680x128xf32, #tpu.memory_space<hbm>> -> memref<512x128xf32, #tpu.memory_space<hbm>>
      tpu.enqueue_dma source(%arg6 : memref<512x128xf32, #tpu.memory_space<vmem>>) target(%dma_start3A_164 : memref<512x128xf32, #tpu.memory_space<hbm>>) target_semaphore(%run_scoped3A : memref<!tpu.dma_semaphore, #tpu.memory_space<semaphore_mem>>)
      %dma_wait3A_165 = arith.constant 0 : i32
      %dma_wait3A_166 = tpu.memref_slice %arg4[%add3A_26, %dma_wait3A_165] : memref<327680x128xf32, #tpu.memory_space<hbm>> -> memref<512x128xf32, #tpu.memory_space<hbm>>
      %dma_wait3A_167 = arith.constant 0 : i32
      %dma_wait3A_168 = tpu.memref_slice %arg4[%add3A_26, %dma_wait3A_167] : memref<327680x128xf32, #tpu.memory_space<hbm>> -> memref<512x128xf32, #tpu.memory_space<hbm>>
      tpu.wait_dma2 semaphore(%run_scoped3A : memref<!tpu.dma_semaphore, #tpu.memory_space<semaphore_mem>>) src(%arg6 : memref<512x128xf32, #tpu.memory_space<vmem>>) dst(%dma_wait3A_168 : memref<512x128xf32, #tpu.memory_space<hbm>>)
      tpu.yield
    }) : () -> ()
    %add3A_33 = arith.constant 2048 : i32
    %add3A_34 = arith.addi %mul3A_2, %add3A_33 : i32
    "tpu.region"() ({
      %run_scoped3A = tpu.sem_alloc : memref<!tpu.dma_semaphore, #tpu.memory_space<semaphore_mem>>
      %dma_start3A_161 = tpu.memref_slice %arg2[%add3A_34] : memref<327680xi32, #tpu.memory_space<hbm>> -> memref<512xi32, #tpu.memory_space<hbm>>
      %dma_start3A_162 = tpu.memref_slice %arg2[%add3A_34] : memref<327680xi32, #tpu.memory_space<hbm>> -> memref<512xi32, #tpu.memory_space<hbm>>
      tpu.enqueue_dma source(%dma_start3A_162 : memref<512xi32, #tpu.memory_space<hbm>>) target(%arg5 : memref<512xi32, #tpu.memory_space<vmem>>) target_semaphore(%run_scoped3A : memref<!tpu.dma_semaphore, #tpu.memory_space<semaphore_mem>>)
      %dma_wait3A_163 = tpu.memref_slice %arg2[%add3A_34] : memref<327680xi32, #tpu.memory_space<hbm>> -> memref<512xi32, #tpu.memory_space<hbm>>
      %dma_wait3A_164 = tpu.memref_slice %arg2[%add3A_34] : memref<327680xi32, #tpu.memory_space<hbm>> -> memref<512xi32, #tpu.memory_space<hbm>>
      tpu.wait_dma2 semaphore(%run_scoped3A : memref<!tpu.dma_semaphore, #tpu.memory_space<semaphore_mem>>) src(%dma_wait3A_164 : memref<512xi32, #tpu.memory_space<hbm>>) dst(%arg5 : memref<512xi32, #tpu.memory_space<vmem>>)
      tpu.yield
    }) : () -> ()
    %dma_start3A_35 = arith.constant 0 : i32
    %dma_start3A_36 = arith.constant 0 : i32
    %dma_start3A_37 = tpu.memref_slice %arg3[%dma_start3A_35, %dma_start3A_36] : memref<250000x128xf32, #tpu.memory_space<hbm>> -> memref<250000x128xf32, #tpu.memory_space<hbm>>
    tpu.enqueue_indirect_dma source(%dma_start3A_37 : memref<250000x128xf32, #tpu.memory_space<hbm>>) target(%arg6 : memref<512x128xf32, #tpu.memory_space<vmem>>) offsets(%arg5 : memref<512xi32, #tpu.memory_space<vmem>>) semaphore(%arg7 : memref<!tpu.dma_semaphore, #tpu.memory_space<semaphore_mem>>)
    %dma_wait3A_38 = arith.constant 0 : i32
    %dma_wait3A_39 = arith.constant 0 : i32
    %dma_wait3A_40 = tpu.memref_slice %arg3[%dma_wait3A_38, %dma_wait3A_39] : memref<250000x128xf32, #tpu.memory_space<hbm>> -> memref<250000x128xf32, #tpu.memory_space<hbm>>
    tpu.wait_indirect_dma semaphore(%arg7 : memref<!tpu.dma_semaphore, #tpu.memory_space<semaphore_mem>>) src(%dma_wait3A_40 : memref<250000x128xf32, #tpu.memory_space<hbm>>) dst(%arg6 : memref<512x128xf32, #tpu.memory_space<vmem>>)
    "tpu.region"() ({
      %run_scoped3A = tpu.sem_alloc : memref<!tpu.dma_semaphore, #tpu.memory_space<semaphore_mem>>
      %dma_start3A_161 = arith.constant 0 : i32
      %dma_start3A_162 = tpu.memref_slice %arg4[%add3A_34, %dma_start3A_161] : memref<327680x128xf32, #tpu.memory_space<hbm>> -> memref<512x128xf32, #tpu.memory_space<hbm>>
      %dma_start3A_163 = arith.constant 0 : i32
      %dma_start3A_164 = tpu.memref_slice %arg4[%add3A_34, %dma_start3A_163] : memref<327680x128xf32, #tpu.memory_space<hbm>> -> memref<512x128xf32, #tpu.memory_space<hbm>>
      tpu.enqueue_dma source(%arg6 : memref<512x128xf32, #tpu.memory_space<vmem>>) target(%dma_start3A_164 : memref<512x128xf32, #tpu.memory_space<hbm>>) target_semaphore(%run_scoped3A : memref<!tpu.dma_semaphore, #tpu.memory_space<semaphore_mem>>)
      %dma_wait3A_165 = arith.constant 0 : i32
      %dma_wait3A_166 = tpu.memref_slice %arg4[%add3A_34, %dma_wait3A_165] : memref<327680x128xf32, #tpu.memory_space<hbm>> -> memref<512x128xf32, #tpu.memory_space<hbm>>
      %dma_wait3A_167 = arith.constant 0 : i32
      %dma_wait3A_168 = tpu.memref_slice %arg4[%add3A_34, %dma_wait3A_167] : memref<327680x128xf32, #tpu.memory_space<hbm>> -> memref<512x128xf32, #tpu.memory_space<hbm>>
      tpu.wait_dma2 semaphore(%run_scoped3A : memref<!tpu.dma_semaphore, #tpu.memory_space<semaphore_mem>>) src(%arg6 : memref<512x128xf32, #tpu.memory_space<vmem>>) dst(%dma_wait3A_168 : memref<512x128xf32, #tpu.memory_space<hbm>>)
      tpu.yield
    }) : () -> ()
    %add3A_41 = arith.constant 2560 : i32
    %add3A_42 = arith.addi %mul3A_2, %add3A_41 : i32
    "tpu.region"() ({
      %run_scoped3A = tpu.sem_alloc : memref<!tpu.dma_semaphore, #tpu.memory_space<semaphore_mem>>
      %dma_start3A_161 = tpu.memref_slice %arg2[%add3A_42] : memref<327680xi32, #tpu.memory_space<hbm>> -> memref<512xi32, #tpu.memory_space<hbm>>
      %dma_start3A_162 = tpu.memref_slice %arg2[%add3A_42] : memref<327680xi32, #tpu.memory_space<hbm>> -> memref<512xi32, #tpu.memory_space<hbm>>
      tpu.enqueue_dma source(%dma_start3A_162 : memref<512xi32, #tpu.memory_space<hbm>>) target(%arg5 : memref<512xi32, #tpu.memory_space<vmem>>) target_semaphore(%run_scoped3A : memref<!tpu.dma_semaphore, #tpu.memory_space<semaphore_mem>>)
      %dma_wait3A_163 = tpu.memref_slice %arg2[%add3A_42] : memref<327680xi32, #tpu.memory_space<hbm>> -> memref<512xi32, #tpu.memory_space<hbm>>
      %dma_wait3A_164 = tpu.memref_slice %arg2[%add3A_42] : memref<327680xi32, #tpu.memory_space<hbm>> -> memref<512xi32, #tpu.memory_space<hbm>>
      tpu.wait_dma2 semaphore(%run_scoped3A : memref<!tpu.dma_semaphore, #tpu.memory_space<semaphore_mem>>) src(%dma_wait3A_164 : memref<512xi32, #tpu.memory_space<hbm>>) dst(%arg5 : memref<512xi32, #tpu.memory_space<vmem>>)
      tpu.yield
    }) : () -> ()
    %dma_start3A_43 = arith.constant 0 : i32
    %dma_start3A_44 = arith.constant 0 : i32
    %dma_start3A_45 = tpu.memref_slice %arg3[%dma_start3A_43, %dma_start3A_44] : memref<250000x128xf32, #tpu.memory_space<hbm>> -> memref<250000x128xf32, #tpu.memory_space<hbm>>
    tpu.enqueue_indirect_dma source(%dma_start3A_45 : memref<250000x128xf32, #tpu.memory_space<hbm>>) target(%arg6 : memref<512x128xf32, #tpu.memory_space<vmem>>) offsets(%arg5 : memref<512xi32, #tpu.memory_space<vmem>>) semaphore(%arg7 : memref<!tpu.dma_semaphore, #tpu.memory_space<semaphore_mem>>)
    %dma_wait3A_46 = arith.constant 0 : i32
    %dma_wait3A_47 = arith.constant 0 : i32
    %dma_wait3A_48 = tpu.memref_slice %arg3[%dma_wait3A_46, %dma_wait3A_47] : memref<250000x128xf32, #tpu.memory_space<hbm>> -> memref<250000x128xf32, #tpu.memory_space<hbm>>
    tpu.wait_indirect_dma semaphore(%arg7 : memref<!tpu.dma_semaphore, #tpu.memory_space<semaphore_mem>>) src(%dma_wait3A_48 : memref<250000x128xf32, #tpu.memory_space<hbm>>) dst(%arg6 : memref<512x128xf32, #tpu.memory_space<vmem>>)
    "tpu.region"() ({
      %run_scoped3A = tpu.sem_alloc : memref<!tpu.dma_semaphore, #tpu.memory_space<semaphore_mem>>
      %dma_start3A_161 = arith.constant 0 : i32
      %dma_start3A_162 = tpu.memref_slice %arg4[%add3A_42, %dma_start3A_161] : memref<327680x128xf32, #tpu.memory_space<hbm>> -> memref<512x128xf32, #tpu.memory_space<hbm>>
      %dma_start3A_163 = arith.constant 0 : i32
      %dma_start3A_164 = tpu.memref_slice %arg4[%add3A_42, %dma_start3A_163] : memref<327680x128xf32, #tpu.memory_space<hbm>> -> memref<512x128xf32, #tpu.memory_space<hbm>>
      tpu.enqueue_dma source(%arg6 : memref<512x128xf32, #tpu.memory_space<vmem>>) target(%dma_start3A_164 : memref<512x128xf32, #tpu.memory_space<hbm>>) target_semaphore(%run_scoped3A : memref<!tpu.dma_semaphore, #tpu.memory_space<semaphore_mem>>)
      %dma_wait3A_165 = arith.constant 0 : i32
      %dma_wait3A_166 = tpu.memref_slice %arg4[%add3A_42, %dma_wait3A_165] : memref<327680x128xf32, #tpu.memory_space<hbm>> -> memref<512x128xf32, #tpu.memory_space<hbm>>
      %dma_wait3A_167 = arith.constant 0 : i32
      %dma_wait3A_168 = tpu.memref_slice %arg4[%add3A_42, %dma_wait3A_167] : memref<327680x128xf32, #tpu.memory_space<hbm>> -> memref<512x128xf32, #tpu.memory_space<hbm>>
      tpu.wait_dma2 semaphore(%run_scoped3A : memref<!tpu.dma_semaphore, #tpu.memory_space<semaphore_mem>>) src(%arg6 : memref<512x128xf32, #tpu.memory_space<vmem>>) dst(%dma_wait3A_168 : memref<512x128xf32, #tpu.memory_space<hbm>>)
      tpu.yield
    }) : () -> ()
    %add3A_49 = arith.constant 3072 : i32
    %add3A_50 = arith.addi %mul3A_2, %add3A_49 : i32
    "tpu.region"() ({
      %run_scoped3A = tpu.sem_alloc : memref<!tpu.dma_semaphore, #tpu.memory_space<semaphore_mem>>
      %dma_start3A_161 = tpu.memref_slice %arg2[%add3A_50] : memref<327680xi32, #tpu.memory_space<hbm>> -> memref<512xi32, #tpu.memory_space<hbm>>
      %dma_start3A_162 = tpu.memref_slice %arg2[%add3A_50] : memref<327680xi32, #tpu.memory_space<hbm>> -> memref<512xi32, #tpu.memory_space<hbm>>
      tpu.enqueue_dma source(%dma_start3A_162 : memref<512xi32, #tpu.memory_space<hbm>>) target(%arg5 : memref<512xi32, #tpu.memory_space<vmem>>) target_semaphore(%run_scoped3A : memref<!tpu.dma_semaphore, #tpu.memory_space<semaphore_mem>>)
      %dma_wait3A_163 = tpu.memref_slice %arg2[%add3A_50] : memref<327680xi32, #tpu.memory_space<hbm>> -> memref<512xi32, #tpu.memory_space<hbm>>
      %dma_wait3A_164 = tpu.memref_slice %arg2[%add3A_50] : memref<327680xi32, #tpu.memory_space<hbm>> -> memref<512xi32, #tpu.memory_space<hbm>>
      tpu.wait_dma2 semaphore(%run_scoped3A : memref<!tpu.dma_semaphore, #tpu.memory_space<semaphore_mem>>) src(%dma_wait3A_164 : memref<512xi32, #tpu.memory_space<hbm>>) dst(%arg5 : memref<512xi32, #tpu.memory_space<vmem>>)
      tpu.yield
    }) : () -> ()
    %dma_start3A_51 = arith.constant 0 : i32
    %dma_start3A_52 = arith.constant 0 : i32
    %dma_start3A_53 = tpu.memref_slice %arg3[%dma_start3A_51, %dma_start3A_52] : memref<250000x128xf32, #tpu.memory_space<hbm>> -> memref<250000x128xf32, #tpu.memory_space<hbm>>
    tpu.enqueue_indirect_dma source(%dma_start3A_53 : memref<250000x128xf32, #tpu.memory_space<hbm>>) target(%arg6 : memref<512x128xf32, #tpu.memory_space<vmem>>) offsets(%arg5 : memref<512xi32, #tpu.memory_space<vmem>>) semaphore(%arg7 : memref<!tpu.dma_semaphore, #tpu.memory_space<semaphore_mem>>)
    %dma_wait3A_54 = arith.constant 0 : i32
    %dma_wait3A_55 = arith.constant 0 : i32
    %dma_wait3A_56 = tpu.memref_slice %arg3[%dma_wait3A_54, %dma_wait3A_55] : memref<250000x128xf32, #tpu.memory_space<hbm>> -> memref<250000x128xf32, #tpu.memory_space<hbm>>
    tpu.wait_indirect_dma semaphore(%arg7 : memref<!tpu.dma_semaphore, #tpu.memory_space<semaphore_mem>>) src(%dma_wait3A_56 : memref<250000x128xf32, #tpu.memory_space<hbm>>) dst(%arg6 : memref<512x128xf32, #tpu.memory_space<vmem>>)
    "tpu.region"() ({
      %run_scoped3A = tpu.sem_alloc : memref<!tpu.dma_semaphore, #tpu.memory_space<semaphore_mem>>
      %dma_start3A_161 = arith.constant 0 : i32
      %dma_start3A_162 = tpu.memref_slice %arg4[%add3A_50, %dma_start3A_161] : memref<327680x128xf32, #tpu.memory_space<hbm>> -> memref<512x128xf32, #tpu.memory_space<hbm>>
      %dma_start3A_163 = arith.constant 0 : i32
      %dma_start3A_164 = tpu.memref_slice %arg4[%add3A_50, %dma_start3A_163] : memref<327680x128xf32, #tpu.memory_space<hbm>> -> memref<512x128xf32, #tpu.memory_space<hbm>>
      tpu.enqueue_dma source(%arg6 : memref<512x128xf32, #tpu.memory_space<vmem>>) target(%dma_start3A_164 : memref<512x128xf32, #tpu.memory_space<hbm>>) target_semaphore(%run_scoped3A : memref<!tpu.dma_semaphore, #tpu.memory_space<semaphore_mem>>)
      %dma_wait3A_165 = arith.constant 0 : i32
      %dma_wait3A_166 = tpu.memref_slice %arg4[%add3A_50, %dma_wait3A_165] : memref<327680x128xf32, #tpu.memory_space<hbm>> -> memref<512x128xf32, #tpu.memory_space<hbm>>
      %dma_wait3A_167 = arith.constant 0 : i32
      %dma_wait3A_168 = tpu.memref_slice %arg4[%add3A_50, %dma_wait3A_167] : memref<327680x128xf32, #tpu.memory_space<hbm>> -> memref<512x128xf32, #tpu.memory_space<hbm>>
      tpu.wait_dma2 semaphore(%run_scoped3A : memref<!tpu.dma_semaphore, #tpu.memory_space<semaphore_mem>>) src(%arg6 : memref<512x128xf32, #tpu.memory_space<vmem>>) dst(%dma_wait3A_168 : memref<512x128xf32, #tpu.memory_space<hbm>>)
      tpu.yield
    }) : () -> ()
    %add3A_57 = arith.constant 3584 : i32
    %add3A_58 = arith.addi %mul3A_2, %add3A_57 : i32
    "tpu.region"() ({
      %run_scoped3A = tpu.sem_alloc : memref<!tpu.dma_semaphore, #tpu.memory_space<semaphore_mem>>
      %dma_start3A_161 = tpu.memref_slice %arg2[%add3A_58] : memref<327680xi32, #tpu.memory_space<hbm>> -> memref<512xi32, #tpu.memory_space<hbm>>
      %dma_start3A_162 = tpu.memref_slice %arg2[%add3A_58] : memref<327680xi32, #tpu.memory_space<hbm>> -> memref<512xi32, #tpu.memory_space<hbm>>
      tpu.enqueue_dma source(%dma_start3A_162 : memref<512xi32, #tpu.memory_space<hbm>>) target(%arg5 : memref<512xi32, #tpu.memory_space<vmem>>) target_semaphore(%run_scoped3A : memref<!tpu.dma_semaphore, #tpu.memory_space<semaphore_mem>>)
      %dma_wait3A_163 = tpu.memref_slice %arg2[%add3A_58] : memref<327680xi32, #tpu.memory_space<hbm>> -> memref<512xi32, #tpu.memory_space<hbm>>
      %dma_wait3A_164 = tpu.memref_slice %arg2[%add3A_58] : memref<327680xi32, #tpu.memory_space<hbm>> -> memref<512xi32, #tpu.memory_space<hbm>>
      tpu.wait_dma2 semaphore(%run_scoped3A : memref<!tpu.dma_semaphore, #tpu.memory_space<semaphore_mem>>) src(%dma_wait3A_164 : memref<512xi32, #tpu.memory_space<hbm>>) dst(%arg5 : memref<512xi32, #tpu.memory_space<vmem>>)
      tpu.yield
    }) : () -> ()
    %dma_start3A_59 = arith.constant 0 : i32
    %dma_start3A_60 = arith.constant 0 : i32
    %dma_start3A_61 = tpu.memref_slice %arg3[%dma_start3A_59, %dma_start3A_60] : memref<250000x128xf32, #tpu.memory_space<hbm>> -> memref<250000x128xf32, #tpu.memory_space<hbm>>
    tpu.enqueue_indirect_dma source(%dma_start3A_61 : memref<250000x128xf32, #tpu.memory_space<hbm>>) target(%arg6 : memref<512x128xf32, #tpu.memory_space<vmem>>) offsets(%arg5 : memref<512xi32, #tpu.memory_space<vmem>>) semaphore(%arg7 : memref<!tpu.dma_semaphore, #tpu.memory_space<semaphore_mem>>)
    %dma_wait3A_62 = arith.constant 0 : i32
    %dma_wait3A_63 = arith.constant 0 : i32
    %dma_wait3A_64 = tpu.memref_slice %arg3[%dma_wait3A_62, %dma_wait3A_63] : memref<250000x128xf32, #tpu.memory_space<hbm>> -> memref<250000x128xf32, #tpu.memory_space<hbm>>
    tpu.wait_indirect_dma semaphore(%arg7 : memref<!tpu.dma_semaphore, #tpu.memory_space<semaphore_mem>>) src(%dma_wait3A_64 : memref<250000x128xf32, #tpu.memory_space<hbm>>) dst(%arg6 : memref<512x128xf32, #tpu.memory_space<vmem>>)
    "tpu.region"() ({
      %run_scoped3A = tpu.sem_alloc : memref<!tpu.dma_semaphore, #tpu.memory_space<semaphore_mem>>
      %dma_start3A_161 = arith.constant 0 : i32
      %dma_start3A_162 = tpu.memref_slice %arg4[%add3A_58, %dma_start3A_161] : memref<327680x128xf32, #tpu.memory_space<hbm>> -> memref<512x128xf32, #tpu.memory_space<hbm>>
      %dma_start3A_163 = arith.constant 0 : i32
      %dma_start3A_164 = tpu.memref_slice %arg4[%add3A_58, %dma_start3A_163] : memref<327680x128xf32, #tpu.memory_space<hbm>> -> memref<512x128xf32, #tpu.memory_space<hbm>>
      tpu.enqueue_dma source(%arg6 : memref<512x128xf32, #tpu.memory_space<vmem>>) target(%dma_start3A_164 : memref<512x128xf32, #tpu.memory_space<hbm>>) target_semaphore(%run_scoped3A : memref<!tpu.dma_semaphore, #tpu.memory_space<semaphore_mem>>)
      %dma_wait3A_165 = arith.constant 0 : i32
      %dma_wait3A_166 = tpu.memref_slice %arg4[%add3A_58, %dma_wait3A_165] : memref<327680x128xf32, #tpu.memory_space<hbm>> -> memref<512x128xf32, #tpu.memory_space<hbm>>
      %dma_wait3A_167 = arith.constant 0 : i32
      %dma_wait3A_168 = tpu.memref_slice %arg4[%add3A_58, %dma_wait3A_167] : memref<327680x128xf32, #tpu.memory_space<hbm>> -> memref<512x128xf32, #tpu.memory_space<hbm>>
      tpu.wait_dma2 semaphore(%run_scoped3A : memref<!tpu.dma_semaphore, #tpu.memory_space<semaphore_mem>>) src(%arg6 : memref<512x128xf32, #tpu.memory_space<vmem>>) dst(%dma_wait3A_168 : memref<512x128xf32, #tpu.memory_space<hbm>>)
      tpu.yield
    }) : () -> ()
    %add3A_65 = arith.constant 4096 : i32
    %add3A_66 = arith.addi %mul3A_2, %add3A_65 : i32
    "tpu.region"() ({
      %run_scoped3A = tpu.sem_alloc : memref<!tpu.dma_semaphore, #tpu.memory_space<semaphore_mem>>
      %dma_start3A_161 = tpu.memref_slice %arg2[%add3A_66] : memref<327680xi32, #tpu.memory_space<hbm>> -> memref<512xi32, #tpu.memory_space<hbm>>
      %dma_start3A_162 = tpu.memref_slice %arg2[%add3A_66] : memref<327680xi32, #tpu.memory_space<hbm>> -> memref<512xi32, #tpu.memory_space<hbm>>
      tpu.enqueue_dma source(%dma_start3A_162 : memref<512xi32, #tpu.memory_space<hbm>>) target(%arg5 : memref<512xi32, #tpu.memory_space<vmem>>) target_semaphore(%run_scoped3A : memref<!tpu.dma_semaphore, #tpu.memory_space<semaphore_mem>>)
      %dma_wait3A_163 = tpu.memref_slice %arg2[%add3A_66] : memref<327680xi32, #tpu.memory_space<hbm>> -> memref<512xi32, #tpu.memory_space<hbm>>
      %dma_wait3A_164 = tpu.memref_slice %arg2[%add3A_66] : memref<327680xi32, #tpu.memory_space<hbm>> -> memref<512xi32, #tpu.memory_space<hbm>>
      tpu.wait_dma2 semaphore(%run_scoped3A : memref<!tpu.dma_semaphore, #tpu.memory_space<semaphore_mem>>) src(%dma_wait3A_164 : memref<512xi32, #tpu.memory_space<hbm>>) dst(%arg5 : memref<512xi32, #tpu.memory_space<vmem>>)
      tpu.yield
    }) : () -> ()
    %dma_start3A_67 = arith.constant 0 : i32
    %dma_start3A_68 = arith.constant 0 : i32
    %dma_start3A_69 = tpu.memref_slice %arg3[%dma_start3A_67, %dma_start3A_68] : memref<250000x128xf32, #tpu.memory_space<hbm>> -> memref<250000x128xf32, #tpu.memory_space<hbm>>
    tpu.enqueue_indirect_dma source(%dma_start3A_69 : memref<250000x128xf32, #tpu.memory_space<hbm>>) target(%arg6 : memref<512x128xf32, #tpu.memory_space<vmem>>) offsets(%arg5 : memref<512xi32, #tpu.memory_space<vmem>>) semaphore(%arg7 : memref<!tpu.dma_semaphore, #tpu.memory_space<semaphore_mem>>)
    %dma_wait3A_70 = arith.constant 0 : i32
    %dma_wait3A_71 = arith.constant 0 : i32
    %dma_wait3A_72 = tpu.memref_slice %arg3[%dma_wait3A_70, %dma_wait3A_71] : memref<250000x128xf32, #tpu.memory_space<hbm>> -> memref<250000x128xf32, #tpu.memory_space<hbm>>
    tpu.wait_indirect_dma semaphore(%arg7 : memref<!tpu.dma_semaphore, #tpu.memory_space<semaphore_mem>>) src(%dma_wait3A_72 : memref<250000x128xf32, #tpu.memory_space<hbm>>) dst(%arg6 : memref<512x128xf32, #tpu.memory_space<vmem>>)
    "tpu.region"() ({
      %run_scoped3A = tpu.sem_alloc : memref<!tpu.dma_semaphore, #tpu.memory_space<semaphore_mem>>
      %dma_start3A_161 = arith.constant 0 : i32
      %dma_start3A_162 = tpu.memref_slice %arg4[%add3A_66, %dma_start3A_161] : memref<327680x128xf32, #tpu.memory_space<hbm>> -> memref<512x128xf32, #tpu.memory_space<hbm>>
      %dma_start3A_163 = arith.constant 0 : i32
      %dma_start3A_164 = tpu.memref_slice %arg4[%add3A_66, %dma_start3A_163] : memref<327680x128xf32, #tpu.memory_space<hbm>> -> memref<512x128xf32, #tpu.memory_space<hbm>>
      tpu.enqueue_dma source(%arg6 : memref<512x128xf32, #tpu.memory_space<vmem>>) target(%dma_start3A_164 : memref<512x128xf32, #tpu.memory_space<hbm>>) target_semaphore(%run_scoped3A : memref<!tpu.dma_semaphore, #tpu.memory_space<semaphore_mem>>)
      %dma_wait3A_165 = arith.constant 0 : i32
      %dma_wait3A_166 = tpu.memref_slice %arg4[%add3A_66, %dma_wait3A_165] : memref<327680x128xf32, #tpu.memory_space<hbm>> -> memref<512x128xf32, #tpu.memory_space<hbm>>
      %dma_wait3A_167 = arith.constant 0 : i32
      %dma_wait3A_168 = tpu.memref_slice %arg4[%add3A_66, %dma_wait3A_167] : memref<327680x128xf32, #tpu.memory_space<hbm>> -> memref<512x128xf32, #tpu.memory_space<hbm>>
      tpu.wait_dma2 semaphore(%run_scoped3A : memref<!tpu.dma_semaphore, #tpu.memory_space<semaphore_mem>>) src(%arg6 : memref<512x128xf32, #tpu.memory_space<vmem>>) dst(%dma_wait3A_168 : memref<512x128xf32, #tpu.memory_space<hbm>>)
      tpu.yield
    }) : () -> ()
    %add3A_73 = arith.constant 4608 : i32
    %add3A_74 = arith.addi %mul3A_2, %add3A_73 : i32
    "tpu.region"() ({
      %run_scoped3A = tpu.sem_alloc : memref<!tpu.dma_semaphore, #tpu.memory_space<semaphore_mem>>
      %dma_start3A_161 = tpu.memref_slice %arg2[%add3A_74] : memref<327680xi32, #tpu.memory_space<hbm>> -> memref<512xi32, #tpu.memory_space<hbm>>
      %dma_start3A_162 = tpu.memref_slice %arg2[%add3A_74] : memref<327680xi32, #tpu.memory_space<hbm>> -> memref<512xi32, #tpu.memory_space<hbm>>
      tpu.enqueue_dma source(%dma_start3A_162 : memref<512xi32, #tpu.memory_space<hbm>>) target(%arg5 : memref<512xi32, #tpu.memory_space<vmem>>) target_semaphore(%run_scoped3A : memref<!tpu.dma_semaphore, #tpu.memory_space<semaphore_mem>>)
      %dma_wait3A_163 = tpu.memref_slice %arg2[%add3A_74] : memref<327680xi32, #tpu.memory_space<hbm>> -> memref<512xi32, #tpu.memory_space<hbm>>
      %dma_wait3A_164 = tpu.memref_slice %arg2[%add3A_74] : memref<327680xi32, #tpu.memory_space<hbm>> -> memref<512xi32, #tpu.memory_space<hbm>>
      tpu.wait_dma2 semaphore(%run_scoped3A : memref<!tpu.dma_semaphore, #tpu.memory_space<semaphore_mem>>) src(%dma_wait3A_164 : memref<512xi32, #tpu.memory_space<hbm>>) dst(%arg5 : memref<512xi32, #tpu.memory_space<vmem>>)
      tpu.yield
    }) : () -> ()
    %dma_start3A_75 = arith.constant 0 : i32
    %dma_start3A_76 = arith.constant 0 : i32
    %dma_start3A_77 = tpu.memref_slice %arg3[%dma_start3A_75, %dma_start3A_76] : memref<250000x128xf32, #tpu.memory_space<hbm>> -> memref<250000x128xf32, #tpu.memory_space<hbm>>
    tpu.enqueue_indirect_dma source(%dma_start3A_77 : memref<250000x128xf32, #tpu.memory_space<hbm>>) target(%arg6 : memref<512x128xf32, #tpu.memory_space<vmem>>) offsets(%arg5 : memref<512xi32, #tpu.memory_space<vmem>>) semaphore(%arg7 : memref<!tpu.dma_semaphore, #tpu.memory_space<semaphore_mem>>)
    %dma_wait3A_78 = arith.constant 0 : i32
    %dma_wait3A_79 = arith.constant 0 : i32
    %dma_wait3A_80 = tpu.memref_slice %arg3[%dma_wait3A_78, %dma_wait3A_79] : memref<250000x128xf32, #tpu.memory_space<hbm>> -> memref<250000x128xf32, #tpu.memory_space<hbm>>
    tpu.wait_indirect_dma semaphore(%arg7 : memref<!tpu.dma_semaphore, #tpu.memory_space<semaphore_mem>>) src(%dma_wait3A_80 : memref<250000x128xf32, #tpu.memory_space<hbm>>) dst(%arg6 : memref<512x128xf32, #tpu.memory_space<vmem>>)
    "tpu.region"() ({
      %run_scoped3A = tpu.sem_alloc : memref<!tpu.dma_semaphore, #tpu.memory_space<semaphore_mem>>
      %dma_start3A_161 = arith.constant 0 : i32
      %dma_start3A_162 = tpu.memref_slice %arg4[%add3A_74, %dma_start3A_161] : memref<327680x128xf32, #tpu.memory_space<hbm>> -> memref<512x128xf32, #tpu.memory_space<hbm>>
      %dma_start3A_163 = arith.constant 0 : i32
      %dma_start3A_164 = tpu.memref_slice %arg4[%add3A_74, %dma_start3A_163] : memref<327680x128xf32, #tpu.memory_space<hbm>> -> memref<512x128xf32, #tpu.memory_space<hbm>>
      tpu.enqueue_dma source(%arg6 : memref<512x128xf32, #tpu.memory_space<vmem>>) target(%dma_start3A_164 : memref<512x128xf32, #tpu.memory_space<hbm>>) target_semaphore(%run_scoped3A : memref<!tpu.dma_semaphore, #tpu.memory_space<semaphore_mem>>)
      %dma_wait3A_165 = arith.constant 0 : i32
      %dma_wait3A_166 = tpu.memref_slice %arg4[%add3A_74, %dma_wait3A_165] : memref<327680x128xf32, #tpu.memory_space<hbm>> -> memref<512x128xf32, #tpu.memory_space<hbm>>
      %dma_wait3A_167 = arith.constant 0 : i32
      %dma_wait3A_168 = tpu.memref_slice %arg4[%add3A_74, %dma_wait3A_167] : memref<327680x128xf32, #tpu.memory_space<hbm>> -> memref<512x128xf32, #tpu.memory_space<hbm>>
      tpu.wait_dma2 semaphore(%run_scoped3A : memref<!tpu.dma_semaphore, #tpu.memory_space<semaphore_mem>>) src(%arg6 : memref<512x128xf32, #tpu.memory_space<vmem>>) dst(%dma_wait3A_168 : memref<512x128xf32, #tpu.memory_space<hbm>>)
      tpu.yield
    }) : () -> ()
    %add3A_81 = arith.constant 5120 : i32
    %add3A_82 = arith.addi %mul3A_2, %add3A_81 : i32
    "tpu.region"() ({
      %run_scoped3A = tpu.sem_alloc : memref<!tpu.dma_semaphore, #tpu.memory_space<semaphore_mem>>
      %dma_start3A_161 = tpu.memref_slice %arg2[%add3A_82] : memref<327680xi32, #tpu.memory_space<hbm>> -> memref<512xi32, #tpu.memory_space<hbm>>
      %dma_start3A_162 = tpu.memref_slice %arg2[%add3A_82] : memref<327680xi32, #tpu.memory_space<hbm>> -> memref<512xi32, #tpu.memory_space<hbm>>
      tpu.enqueue_dma source(%dma_start3A_162 : memref<512xi32, #tpu.memory_space<hbm>>) target(%arg5 : memref<512xi32, #tpu.memory_space<vmem>>) target_semaphore(%run_scoped3A : memref<!tpu.dma_semaphore, #tpu.memory_space<semaphore_mem>>)
      %dma_wait3A_163 = tpu.memref_slice %arg2[%add3A_82] : memref<327680xi32, #tpu.memory_space<hbm>> -> memref<512xi32, #tpu.memory_space<hbm>>
      %dma_wait3A_164 = tpu.memref_slice %arg2[%add3A_82] : memref<327680xi32, #tpu.memory_space<hbm>> -> memref<512xi32, #tpu.memory_space<hbm>>
      tpu.wait_dma2 semaphore(%run_scoped3A : memref<!tpu.dma_semaphore, #tpu.memory_space<semaphore_mem>>) src(%dma_wait3A_164 : memref<512xi32, #tpu.memory_space<hbm>>) dst(%arg5 : memref<512xi32, #tpu.memory_space<vmem>>)
      tpu.yield
    }) : () -> ()
    %dma_start3A_83 = arith.constant 0 : i32
    %dma_start3A_84 = arith.constant 0 : i32
    %dma_start3A_85 = tpu.memref_slice %arg3[%dma_start3A_83, %dma_start3A_84] : memref<250000x128xf32, #tpu.memory_space<hbm>> -> memref<250000x128xf32, #tpu.memory_space<hbm>>
    tpu.enqueue_indirect_dma source(%dma_start3A_85 : memref<250000x128xf32, #tpu.memory_space<hbm>>) target(%arg6 : memref<512x128xf32, #tpu.memory_space<vmem>>) offsets(%arg5 : memref<512xi32, #tpu.memory_space<vmem>>) semaphore(%arg7 : memref<!tpu.dma_semaphore, #tpu.memory_space<semaphore_mem>>)
    %dma_wait3A_86 = arith.constant 0 : i32
    %dma_wait3A_87 = arith.constant 0 : i32
    %dma_wait3A_88 = tpu.memref_slice %arg3[%dma_wait3A_86, %dma_wait3A_87] : memref<250000x128xf32, #tpu.memory_space<hbm>> -> memref<250000x128xf32, #tpu.memory_space<hbm>>
    tpu.wait_indirect_dma semaphore(%arg7 : memref<!tpu.dma_semaphore, #tpu.memory_space<semaphore_mem>>) src(%dma_wait3A_88 : memref<250000x128xf32, #tpu.memory_space<hbm>>) dst(%arg6 : memref<512x128xf32, #tpu.memory_space<vmem>>)
    "tpu.region"() ({
      %run_scoped3A = tpu.sem_alloc : memref<!tpu.dma_semaphore, #tpu.memory_space<semaphore_mem>>
      %dma_start3A_161 = arith.constant 0 : i32
      %dma_start3A_162 = tpu.memref_slice %arg4[%add3A_82, %dma_start3A_161] : memref<327680x128xf32, #tpu.memory_space<hbm>> -> memref<512x128xf32, #tpu.memory_space<hbm>>
      %dma_start3A_163 = arith.constant 0 : i32
      %dma_start3A_164 = tpu.memref_slice %arg4[%add3A_82, %dma_start3A_163] : memref<327680x128xf32, #tpu.memory_space<hbm>> -> memref<512x128xf32, #tpu.memory_space<hbm>>
      tpu.enqueue_dma source(%arg6 : memref<512x128xf32, #tpu.memory_space<vmem>>) target(%dma_start3A_164 : memref<512x128xf32, #tpu.memory_space<hbm>>) target_semaphore(%run_scoped3A : memref<!tpu.dma_semaphore, #tpu.memory_space<semaphore_mem>>)
      %dma_wait3A_165 = arith.constant 0 : i32
      %dma_wait3A_166 = tpu.memref_slice %arg4[%add3A_82, %dma_wait3A_165] : memref<327680x128xf32, #tpu.memory_space<hbm>> -> memref<512x128xf32, #tpu.memory_space<hbm>>
      %dma_wait3A_167 = arith.constant 0 : i32
      %dma_wait3A_168 = tpu.memref_slice %arg4[%add3A_82, %dma_wait3A_167] : memref<327680x128xf32, #tpu.memory_space<hbm>> -> memref<512x128xf32, #tpu.memory_space<hbm>>
      tpu.wait_dma2 semaphore(%run_scoped3A : memref<!tpu.dma_semaphore, #tpu.memory_space<semaphore_mem>>) src(%arg6 : memref<512x128xf32, #tpu.memory_space<vmem>>) dst(%dma_wait3A_168 : memref<512x128xf32, #tpu.memory_space<hbm>>)
      tpu.yield
    }) : () -> ()
    %add3A_89 = arith.constant 5632 : i32
    %add3A_90 = arith.addi %mul3A_2, %add3A_89 : i32
    "tpu.region"() ({
      %run_scoped3A = tpu.sem_alloc : memref<!tpu.dma_semaphore, #tpu.memory_space<semaphore_mem>>
      %dma_start3A_161 = tpu.memref_slice %arg2[%add3A_90] : memref<327680xi32, #tpu.memory_space<hbm>> -> memref<512xi32, #tpu.memory_space<hbm>>
      %dma_start3A_162 = tpu.memref_slice %arg2[%add3A_90] : memref<327680xi32, #tpu.memory_space<hbm>> -> memref<512xi32, #tpu.memory_space<hbm>>
      tpu.enqueue_dma source(%dma_start3A_162 : memref<512xi32, #tpu.memory_space<hbm>>) target(%arg5 : memref<512xi32, #tpu.memory_space<vmem>>) target_semaphore(%run_scoped3A : memref<!tpu.dma_semaphore, #tpu.memory_space<semaphore_mem>>)
      %dma_wait3A_163 = tpu.memref_slice %arg2[%add3A_90] : memref<327680xi32, #tpu.memory_space<hbm>> -> memref<512xi32, #tpu.memory_space<hbm>>
      %dma_wait3A_164 = tpu.memref_slice %arg2[%add3A_90] : memref<327680xi32, #tpu.memory_space<hbm>> -> memref<512xi32, #tpu.memory_space<hbm>>
      tpu.wait_dma2 semaphore(%run_scoped3A : memref<!tpu.dma_semaphore, #tpu.memory_space<semaphore_mem>>) src(%dma_wait3A_164 : memref<512xi32, #tpu.memory_space<hbm>>) dst(%arg5 : memref<512xi32, #tpu.memory_space<vmem>>)
      tpu.yield
    }) : () -> ()
    %dma_start3A_91 = arith.constant 0 : i32
    %dma_start3A_92 = arith.constant 0 : i32
    %dma_start3A_93 = tpu.memref_slice %arg3[%dma_start3A_91, %dma_start3A_92] : memref<250000x128xf32, #tpu.memory_space<hbm>> -> memref<250000x128xf32, #tpu.memory_space<hbm>>
    tpu.enqueue_indirect_dma source(%dma_start3A_93 : memref<250000x128xf32, #tpu.memory_space<hbm>>) target(%arg6 : memref<512x128xf32, #tpu.memory_space<vmem>>) offsets(%arg5 : memref<512xi32, #tpu.memory_space<vmem>>) semaphore(%arg7 : memref<!tpu.dma_semaphore, #tpu.memory_space<semaphore_mem>>)
    %dma_wait3A_94 = arith.constant 0 : i32
    %dma_wait3A_95 = arith.constant 0 : i32
    %dma_wait3A_96 = tpu.memref_slice %arg3[%dma_wait3A_94, %dma_wait3A_95] : memref<250000x128xf32, #tpu.memory_space<hbm>> -> memref<250000x128xf32, #tpu.memory_space<hbm>>
    tpu.wait_indirect_dma semaphore(%arg7 : memref<!tpu.dma_semaphore, #tpu.memory_space<semaphore_mem>>) src(%dma_wait3A_96 : memref<250000x128xf32, #tpu.memory_space<hbm>>) dst(%arg6 : memref<512x128xf32, #tpu.memory_space<vmem>>)
    "tpu.region"() ({
      %run_scoped3A = tpu.sem_alloc : memref<!tpu.dma_semaphore, #tpu.memory_space<semaphore_mem>>
      %dma_start3A_161 = arith.constant 0 : i32
      %dma_start3A_162 = tpu.memref_slice %arg4[%add3A_90, %dma_start3A_161] : memref<327680x128xf32, #tpu.memory_space<hbm>> -> memref<512x128xf32, #tpu.memory_space<hbm>>
      %dma_start3A_163 = arith.constant 0 : i32
      %dma_start3A_164 = tpu.memref_slice %arg4[%add3A_90, %dma_start3A_163] : memref<327680x128xf32, #tpu.memory_space<hbm>> -> memref<512x128xf32, #tpu.memory_space<hbm>>
      tpu.enqueue_dma source(%arg6 : memref<512x128xf32, #tpu.memory_space<vmem>>) target(%dma_start3A_164 : memref<512x128xf32, #tpu.memory_space<hbm>>) target_semaphore(%run_scoped3A : memref<!tpu.dma_semaphore, #tpu.memory_space<semaphore_mem>>)
      %dma_wait3A_165 = arith.constant 0 : i32
      %dma_wait3A_166 = tpu.memref_slice %arg4[%add3A_90, %dma_wait3A_165] : memref<327680x128xf32, #tpu.memory_space<hbm>> -> memref<512x128xf32, #tpu.memory_space<hbm>>
      %dma_wait3A_167 = arith.constant 0 : i32
      %dma_wait3A_168 = tpu.memref_slice %arg4[%add3A_90, %dma_wait3A_167] : memref<327680x128xf32, #tpu.memory_space<hbm>> -> memref<512x128xf32, #tpu.memory_space<hbm>>
      tpu.wait_dma2 semaphore(%run_scoped3A : memref<!tpu.dma_semaphore, #tpu.memory_space<semaphore_mem>>) src(%arg6 : memref<512x128xf32, #tpu.memory_space<vmem>>) dst(%dma_wait3A_168 : memref<512x128xf32, #tpu.memory_space<hbm>>)
      tpu.yield
    }) : () -> ()
    %add3A_97 = arith.constant 6144 : i32
    %add3A_98 = arith.addi %mul3A_2, %add3A_97 : i32
    "tpu.region"() ({
      %run_scoped3A = tpu.sem_alloc : memref<!tpu.dma_semaphore, #tpu.memory_space<semaphore_mem>>
      %dma_start3A_161 = tpu.memref_slice %arg2[%add3A_98] : memref<327680xi32, #tpu.memory_space<hbm>> -> memref<512xi32, #tpu.memory_space<hbm>>
      %dma_start3A_162 = tpu.memref_slice %arg2[%add3A_98] : memref<327680xi32, #tpu.memory_space<hbm>> -> memref<512xi32, #tpu.memory_space<hbm>>
      tpu.enqueue_dma source(%dma_start3A_162 : memref<512xi32, #tpu.memory_space<hbm>>) target(%arg5 : memref<512xi32, #tpu.memory_space<vmem>>) target_semaphore(%run_scoped3A : memref<!tpu.dma_semaphore, #tpu.memory_space<semaphore_mem>>)
      %dma_wait3A_163 = tpu.memref_slice %arg2[%add3A_98] : memref<327680xi32, #tpu.memory_space<hbm>> -> memref<512xi32, #tpu.memory_space<hbm>>
      %dma_wait3A_164 = tpu.memref_slice %arg2[%add3A_98] : memref<327680xi32, #tpu.memory_space<hbm>> -> memref<512xi32, #tpu.memory_space<hbm>>
      tpu.wait_dma2 semaphore(%run_scoped3A : memref<!tpu.dma_semaphore, #tpu.memory_space<semaphore_mem>>) src(%dma_wait3A_164 : memref<512xi32, #tpu.memory_space<hbm>>) dst(%arg5 : memref<512xi32, #tpu.memory_space<vmem>>)
      tpu.yield
    }) : () -> ()
    %dma_start3A_99 = arith.constant 0 : i32
    %dma_start3A_100 = arith.constant 0 : i32
    %dma_start3A_101 = tpu.memref_slice %arg3[%dma_start3A_99, %dma_start3A_100] : memref<250000x128xf32, #tpu.memory_space<hbm>> -> memref<250000x128xf32, #tpu.memory_space<hbm>>
    tpu.enqueue_indirect_dma source(%dma_start3A_101 : memref<250000x128xf32, #tpu.memory_space<hbm>>) target(%arg6 : memref<512x128xf32, #tpu.memory_space<vmem>>) offsets(%arg5 : memref<512xi32, #tpu.memory_space<vmem>>) semaphore(%arg7 : memref<!tpu.dma_semaphore, #tpu.memory_space<semaphore_mem>>)
    %dma_wait3A_102 = arith.constant 0 : i32
    %dma_wait3A_103 = arith.constant 0 : i32
    %dma_wait3A_104 = tpu.memref_slice %arg3[%dma_wait3A_102, %dma_wait3A_103] : memref<250000x128xf32, #tpu.memory_space<hbm>> -> memref<250000x128xf32, #tpu.memory_space<hbm>>
    tpu.wait_indirect_dma semaphore(%arg7 : memref<!tpu.dma_semaphore, #tpu.memory_space<semaphore_mem>>) src(%dma_wait3A_104 : memref<250000x128xf32, #tpu.memory_space<hbm>>) dst(%arg6 : memref<512x128xf32, #tpu.memory_space<vmem>>)
    "tpu.region"() ({
      %run_scoped3A = tpu.sem_alloc : memref<!tpu.dma_semaphore, #tpu.memory_space<semaphore_mem>>
      %dma_start3A_161 = arith.constant 0 : i32
      %dma_start3A_162 = tpu.memref_slice %arg4[%add3A_98, %dma_start3A_161] : memref<327680x128xf32, #tpu.memory_space<hbm>> -> memref<512x128xf32, #tpu.memory_space<hbm>>
      %dma_start3A_163 = arith.constant 0 : i32
      %dma_start3A_164 = tpu.memref_slice %arg4[%add3A_98, %dma_start3A_163] : memref<327680x128xf32, #tpu.memory_space<hbm>> -> memref<512x128xf32, #tpu.memory_space<hbm>>
      tpu.enqueue_dma source(%arg6 : memref<512x128xf32, #tpu.memory_space<vmem>>) target(%dma_start3A_164 : memref<512x128xf32, #tpu.memory_space<hbm>>) target_semaphore(%run_scoped3A : memref<!tpu.dma_semaphore, #tpu.memory_space<semaphore_mem>>)
      %dma_wait3A_165 = arith.constant 0 : i32
      %dma_wait3A_166 = tpu.memref_slice %arg4[%add3A_98, %dma_wait3A_165] : memref<327680x128xf32, #tpu.memory_space<hbm>> -> memref<512x128xf32, #tpu.memory_space<hbm>>
      %dma_wait3A_167 = arith.constant 0 : i32
      %dma_wait3A_168 = tpu.memref_slice %arg4[%add3A_98, %dma_wait3A_167] : memref<327680x128xf32, #tpu.memory_space<hbm>> -> memref<512x128xf32, #tpu.memory_space<hbm>>
      tpu.wait_dma2 semaphore(%run_scoped3A : memref<!tpu.dma_semaphore, #tpu.memory_space<semaphore_mem>>) src(%arg6 : memref<512x128xf32, #tpu.memory_space<vmem>>) dst(%dma_wait3A_168 : memref<512x128xf32, #tpu.memory_space<hbm>>)
      tpu.yield
    }) : () -> ()
    %add3A_105 = arith.constant 6656 : i32
    %add3A_106 = arith.addi %mul3A_2, %add3A_105 : i32
    "tpu.region"() ({
      %run_scoped3A = tpu.sem_alloc : memref<!tpu.dma_semaphore, #tpu.memory_space<semaphore_mem>>
      %dma_start3A_161 = tpu.memref_slice %arg2[%add3A_106] : memref<327680xi32, #tpu.memory_space<hbm>> -> memref<512xi32, #tpu.memory_space<hbm>>
      %dma_start3A_162 = tpu.memref_slice %arg2[%add3A_106] : memref<327680xi32, #tpu.memory_space<hbm>> -> memref<512xi32, #tpu.memory_space<hbm>>
      tpu.enqueue_dma source(%dma_start3A_162 : memref<512xi32, #tpu.memory_space<hbm>>) target(%arg5 : memref<512xi32, #tpu.memory_space<vmem>>) target_semaphore(%run_scoped3A : memref<!tpu.dma_semaphore, #tpu.memory_space<semaphore_mem>>)
      %dma_wait3A_163 = tpu.memref_slice %arg2[%add3A_106] : memref<327680xi32, #tpu.memory_space<hbm>> -> memref<512xi32, #tpu.memory_space<hbm>>
      %dma_wait3A_164 = tpu.memref_slice %arg2[%add3A_106] : memref<327680xi32, #tpu.memory_space<hbm>> -> memref<512xi32, #tpu.memory_space<hbm>>
      tpu.wait_dma2 semaphore(%run_scoped3A : memref<!tpu.dma_semaphore, #tpu.memory_space<semaphore_mem>>) src(%dma_wait3A_164 : memref<512xi32, #tpu.memory_space<hbm>>) dst(%arg5 : memref<512xi32, #tpu.memory_space<vmem>>)
      tpu.yield
    }) : () -> ()
    %dma_start3A_107 = arith.constant 0 : i32
    %dma_start3A_108 = arith.constant 0 : i32
    %dma_start3A_109 = tpu.memref_slice %arg3[%dma_start3A_107, %dma_start3A_108] : memref<250000x128xf32, #tpu.memory_space<hbm>> -> memref<250000x128xf32, #tpu.memory_space<hbm>>
    tpu.enqueue_indirect_dma source(%dma_start3A_109 : memref<250000x128xf32, #tpu.memory_space<hbm>>) target(%arg6 : memref<512x128xf32, #tpu.memory_space<vmem>>) offsets(%arg5 : memref<512xi32, #tpu.memory_space<vmem>>) semaphore(%arg7 : memref<!tpu.dma_semaphore, #tpu.memory_space<semaphore_mem>>)
    %dma_wait3A_110 = arith.constant 0 : i32
    %dma_wait3A_111 = arith.constant 0 : i32
    %dma_wait3A_112 = tpu.memref_slice %arg3[%dma_wait3A_110, %dma_wait3A_111] : memref<250000x128xf32, #tpu.memory_space<hbm>> -> memref<250000x128xf32, #tpu.memory_space<hbm>>
    tpu.wait_indirect_dma semaphore(%arg7 : memref<!tpu.dma_semaphore, #tpu.memory_space<semaphore_mem>>) src(%dma_wait3A_112 : memref<250000x128xf32, #tpu.memory_space<hbm>>) dst(%arg6 : memref<512x128xf32, #tpu.memory_space<vmem>>)
    "tpu.region"() ({
      %run_scoped3A = tpu.sem_alloc : memref<!tpu.dma_semaphore, #tpu.memory_space<semaphore_mem>>
      %dma_start3A_161 = arith.constant 0 : i32
      %dma_start3A_162 = tpu.memref_slice %arg4[%add3A_106, %dma_start3A_161] : memref<327680x128xf32, #tpu.memory_space<hbm>> -> memref<512x128xf32, #tpu.memory_space<hbm>>
      %dma_start3A_163 = arith.constant 0 : i32
      %dma_start3A_164 = tpu.memref_slice %arg4[%add3A_106, %dma_start3A_163] : memref<327680x128xf32, #tpu.memory_space<hbm>> -> memref<512x128xf32, #tpu.memory_space<hbm>>
      tpu.enqueue_dma source(%arg6 : memref<512x128xf32, #tpu.memory_space<vmem>>) target(%dma_start3A_164 : memref<512x128xf32, #tpu.memory_space<hbm>>) target_semaphore(%run_scoped3A : memref<!tpu.dma_semaphore, #tpu.memory_space<semaphore_mem>>)
      %dma_wait3A_165 = arith.constant 0 : i32
      %dma_wait3A_166 = tpu.memref_slice %arg4[%add3A_106, %dma_wait3A_165] : memref<327680x128xf32, #tpu.memory_space<hbm>> -> memref<512x128xf32, #tpu.memory_space<hbm>>
      %dma_wait3A_167 = arith.constant 0 : i32
      %dma_wait3A_168 = tpu.memref_slice %arg4[%add3A_106, %dma_wait3A_167] : memref<327680x128xf32, #tpu.memory_space<hbm>> -> memref<512x128xf32, #tpu.memory_space<hbm>>
      tpu.wait_dma2 semaphore(%run_scoped3A : memref<!tpu.dma_semaphore, #tpu.memory_space<semaphore_mem>>) src(%arg6 : memref<512x128xf32, #tpu.memory_space<vmem>>) dst(%dma_wait3A_168 : memref<512x128xf32, #tpu.memory_space<hbm>>)
      tpu.yield
    }) : () -> ()
    %add3A_113 = arith.constant 7168 : i32
    %add3A_114 = arith.addi %mul3A_2, %add3A_113 : i32
    "tpu.region"() ({
      %run_scoped3A = tpu.sem_alloc : memref<!tpu.dma_semaphore, #tpu.memory_space<semaphore_mem>>
      %dma_start3A_161 = tpu.memref_slice %arg2[%add3A_114] : memref<327680xi32, #tpu.memory_space<hbm>> -> memref<512xi32, #tpu.memory_space<hbm>>
      %dma_start3A_162 = tpu.memref_slice %arg2[%add3A_114] : memref<327680xi32, #tpu.memory_space<hbm>> -> memref<512xi32, #tpu.memory_space<hbm>>
      tpu.enqueue_dma source(%dma_start3A_162 : memref<512xi32, #tpu.memory_space<hbm>>) target(%arg5 : memref<512xi32, #tpu.memory_space<vmem>>) target_semaphore(%run_scoped3A : memref<!tpu.dma_semaphore, #tpu.memory_space<semaphore_mem>>)
      %dma_wait3A_163 = tpu.memref_slice %arg2[%add3A_114] : memref<327680xi32, #tpu.memory_space<hbm>> -> memref<512xi32, #tpu.memory_space<hbm>>
      %dma_wait3A_164 = tpu.memref_slice %arg2[%add3A_114] : memref<327680xi32, #tpu.memory_space<hbm>> -> memref<512xi32, #tpu.memory_space<hbm>>
      tpu.wait_dma2 semaphore(%run_scoped3A : memref<!tpu.dma_semaphore, #tpu.memory_space<semaphore_mem>>) src(%dma_wait3A_164 : memref<512xi32, #tpu.memory_space<hbm>>) dst(%arg5 : memref<512xi32, #tpu.memory_space<vmem>>)
      tpu.yield
    }) : () -> ()
    %dma_start3A_115 = arith.constant 0 : i32
    %dma_start3A_116 = arith.constant 0 : i32
    %dma_start3A_117 = tpu.memref_slice %arg3[%dma_start3A_115, %dma_start3A_116] : memref<250000x128xf32, #tpu.memory_space<hbm>> -> memref<250000x128xf32, #tpu.memory_space<hbm>>
    tpu.enqueue_indirect_dma source(%dma_start3A_117 : memref<250000x128xf32, #tpu.memory_space<hbm>>) target(%arg6 : memref<512x128xf32, #tpu.memory_space<vmem>>) offsets(%arg5 : memref<512xi32, #tpu.memory_space<vmem>>) semaphore(%arg7 : memref<!tpu.dma_semaphore, #tpu.memory_space<semaphore_mem>>)
    %dma_wait3A_118 = arith.constant 0 : i32
    %dma_wait3A_119 = arith.constant 0 : i32
    %dma_wait3A_120 = tpu.memref_slice %arg3[%dma_wait3A_118, %dma_wait3A_119] : memref<250000x128xf32, #tpu.memory_space<hbm>> -> memref<250000x128xf32, #tpu.memory_space<hbm>>
    tpu.wait_indirect_dma semaphore(%arg7 : memref<!tpu.dma_semaphore, #tpu.memory_space<semaphore_mem>>) src(%dma_wait3A_120 : memref<250000x128xf32, #tpu.memory_space<hbm>>) dst(%arg6 : memref<512x128xf32, #tpu.memory_space<vmem>>)
    "tpu.region"() ({
      %run_scoped3A = tpu.sem_alloc : memref<!tpu.dma_semaphore, #tpu.memory_space<semaphore_mem>>
      %dma_start3A_161 = arith.constant 0 : i32
      %dma_start3A_162 = tpu.memref_slice %arg4[%add3A_114, %dma_start3A_161] : memref<327680x128xf32, #tpu.memory_space<hbm>> -> memref<512x128xf32, #tpu.memory_space<hbm>>
      %dma_start3A_163 = arith.constant 0 : i32
      %dma_start3A_164 = tpu.memref_slice %arg4[%add3A_114, %dma_start3A_163] : memref<327680x128xf32, #tpu.memory_space<hbm>> -> memref<512x128xf32, #tpu.memory_space<hbm>>
      tpu.enqueue_dma source(%arg6 : memref<512x128xf32, #tpu.memory_space<vmem>>) target(%dma_start3A_164 : memref<512x128xf32, #tpu.memory_space<hbm>>) target_semaphore(%run_scoped3A : memref<!tpu.dma_semaphore, #tpu.memory_space<semaphore_mem>>)
      %dma_wait3A_165 = arith.constant 0 : i32
      %dma_wait3A_166 = tpu.memref_slice %arg4[%add3A_114, %dma_wait3A_165] : memref<327680x128xf32, #tpu.memory_space<hbm>> -> memref<512x128xf32, #tpu.memory_space<hbm>>
      %dma_wait3A_167 = arith.constant 0 : i32
      %dma_wait3A_168 = tpu.memref_slice %arg4[%add3A_114, %dma_wait3A_167] : memref<327680x128xf32, #tpu.memory_space<hbm>> -> memref<512x128xf32, #tpu.memory_space<hbm>>
      tpu.wait_dma2 semaphore(%run_scoped3A : memref<!tpu.dma_semaphore, #tpu.memory_space<semaphore_mem>>) src(%arg6 : memref<512x128xf32, #tpu.memory_space<vmem>>) dst(%dma_wait3A_168 : memref<512x128xf32, #tpu.memory_space<hbm>>)
      tpu.yield
    }) : () -> ()
    %add3A_121 = arith.constant 7680 : i32
    %add3A_122 = arith.addi %mul3A_2, %add3A_121 : i32
    "tpu.region"() ({
      %run_scoped3A = tpu.sem_alloc : memref<!tpu.dma_semaphore, #tpu.memory_space<semaphore_mem>>
      %dma_start3A_161 = tpu.memref_slice %arg2[%add3A_122] : memref<327680xi32, #tpu.memory_space<hbm>> -> memref<512xi32, #tpu.memory_space<hbm>>
      %dma_start3A_162 = tpu.memref_slice %arg2[%add3A_122] : memref<327680xi32, #tpu.memory_space<hbm>> -> memref<512xi32, #tpu.memory_space<hbm>>
      tpu.enqueue_dma source(%dma_start3A_162 : memref<512xi32, #tpu.memory_space<hbm>>) target(%arg5 : memref<512xi32, #tpu.memory_space<vmem>>) target_semaphore(%run_scoped3A : memref<!tpu.dma_semaphore, #tpu.memory_space<semaphore_mem>>)
      %dma_wait3A_163 = tpu.memref_slice %arg2[%add3A_122] : memref<327680xi32, #tpu.memory_space<hbm>> -> memref<512xi32, #tpu.memory_space<hbm>>
      %dma_wait3A_164 = tpu.memref_slice %arg2[%add3A_122] : memref<327680xi32, #tpu.memory_space<hbm>> -> memref<512xi32, #tpu.memory_space<hbm>>
      tpu.wait_dma2 semaphore(%run_scoped3A : memref<!tpu.dma_semaphore, #tpu.memory_space<semaphore_mem>>) src(%dma_wait3A_164 : memref<512xi32, #tpu.memory_space<hbm>>) dst(%arg5 : memref<512xi32, #tpu.memory_space<vmem>>)
      tpu.yield
    }) : () -> ()
    %dma_start3A_123 = arith.constant 0 : i32
    %dma_start3A_124 = arith.constant 0 : i32
    %dma_start3A_125 = tpu.memref_slice %arg3[%dma_start3A_123, %dma_start3A_124] : memref<250000x128xf32, #tpu.memory_space<hbm>> -> memref<250000x128xf32, #tpu.memory_space<hbm>>
    tpu.enqueue_indirect_dma source(%dma_start3A_125 : memref<250000x128xf32, #tpu.memory_space<hbm>>) target(%arg6 : memref<512x128xf32, #tpu.memory_space<vmem>>) offsets(%arg5 : memref<512xi32, #tpu.memory_space<vmem>>) semaphore(%arg7 : memref<!tpu.dma_semaphore, #tpu.memory_space<semaphore_mem>>)
    %dma_wait3A_126 = arith.constant 0 : i32
    %dma_wait3A_127 = arith.constant 0 : i32
    %dma_wait3A_128 = tpu.memref_slice %arg3[%dma_wait3A_126, %dma_wait3A_127] : memref<250000x128xf32, #tpu.memory_space<hbm>> -> memref<250000x128xf32, #tpu.memory_space<hbm>>
    tpu.wait_indirect_dma semaphore(%arg7 : memref<!tpu.dma_semaphore, #tpu.memory_space<semaphore_mem>>) src(%dma_wait3A_128 : memref<250000x128xf32, #tpu.memory_space<hbm>>) dst(%arg6 : memref<512x128xf32, #tpu.memory_space<vmem>>)
    "tpu.region"() ({
      %run_scoped3A = tpu.sem_alloc : memref<!tpu.dma_semaphore, #tpu.memory_space<semaphore_mem>>
      %dma_start3A_161 = arith.constant 0 : i32
      %dma_start3A_162 = tpu.memref_slice %arg4[%add3A_122, %dma_start3A_161] : memref<327680x128xf32, #tpu.memory_space<hbm>> -> memref<512x128xf32, #tpu.memory_space<hbm>>
      %dma_start3A_163 = arith.constant 0 : i32
      %dma_start3A_164 = tpu.memref_slice %arg4[%add3A_122, %dma_start3A_163] : memref<327680x128xf32, #tpu.memory_space<hbm>> -> memref<512x128xf32, #tpu.memory_space<hbm>>
      tpu.enqueue_dma source(%arg6 : memref<512x128xf32, #tpu.memory_space<vmem>>) target(%dma_start3A_164 : memref<512x128xf32, #tpu.memory_space<hbm>>) target_semaphore(%run_scoped3A : memref<!tpu.dma_semaphore, #tpu.memory_space<semaphore_mem>>)
      %dma_wait3A_165 = arith.constant 0 : i32
      %dma_wait3A_166 = tpu.memref_slice %arg4[%add3A_122, %dma_wait3A_165] : memref<327680x128xf32, #tpu.memory_space<hbm>> -> memref<512x128xf32, #tpu.memory_space<hbm>>
      %dma_wait3A_167 = arith.constant 0 : i32
      %dma_wait3A_168 = tpu.memref_slice %arg4[%add3A_122, %dma_wait3A_167] : memref<327680x128xf32, #tpu.memory_space<hbm>> -> memref<512x128xf32, #tpu.memory_space<hbm>>
      tpu.wait_dma2 semaphore(%run_scoped3A : memref<!tpu.dma_semaphore, #tpu.memory_space<semaphore_mem>>) src(%arg6 : memref<512x128xf32, #tpu.memory_space<vmem>>) dst(%dma_wait3A_168 : memref<512x128xf32, #tpu.memory_space<hbm>>)
      tpu.yield
    }) : () -> ()
    %add3A_129 = arith.constant 8192 : i32
    %add3A_130 = arith.addi %mul3A_2, %add3A_129 : i32
    "tpu.region"() ({
      %run_scoped3A = tpu.sem_alloc : memref<!tpu.dma_semaphore, #tpu.memory_space<semaphore_mem>>
      %dma_start3A_161 = tpu.memref_slice %arg2[%add3A_130] : memref<327680xi32, #tpu.memory_space<hbm>> -> memref<512xi32, #tpu.memory_space<hbm>>
      %dma_start3A_162 = tpu.memref_slice %arg2[%add3A_130] : memref<327680xi32, #tpu.memory_space<hbm>> -> memref<512xi32, #tpu.memory_space<hbm>>
      tpu.enqueue_dma source(%dma_start3A_162 : memref<512xi32, #tpu.memory_space<hbm>>) target(%arg5 : memref<512xi32, #tpu.memory_space<vmem>>) target_semaphore(%run_scoped3A : memref<!tpu.dma_semaphore, #tpu.memory_space<semaphore_mem>>)
      %dma_wait3A_163 = tpu.memref_slice %arg2[%add3A_130] : memref<327680xi32, #tpu.memory_space<hbm>> -> memref<512xi32, #tpu.memory_space<hbm>>
      %dma_wait3A_164 = tpu.memref_slice %arg2[%add3A_130] : memref<327680xi32, #tpu.memory_space<hbm>> -> memref<512xi32, #tpu.memory_space<hbm>>
      tpu.wait_dma2 semaphore(%run_scoped3A : memref<!tpu.dma_semaphore, #tpu.memory_space<semaphore_mem>>) src(%dma_wait3A_164 : memref<512xi32, #tpu.memory_space<hbm>>) dst(%arg5 : memref<512xi32, #tpu.memory_space<vmem>>)
      tpu.yield
    }) : () -> ()
    %dma_start3A_131 = arith.constant 0 : i32
    %dma_start3A_132 = arith.constant 0 : i32
    %dma_start3A_133 = tpu.memref_slice %arg3[%dma_start3A_131, %dma_start3A_132] : memref<250000x128xf32, #tpu.memory_space<hbm>> -> memref<250000x128xf32, #tpu.memory_space<hbm>>
    tpu.enqueue_indirect_dma source(%dma_start3A_133 : memref<250000x128xf32, #tpu.memory_space<hbm>>) target(%arg6 : memref<512x128xf32, #tpu.memory_space<vmem>>) offsets(%arg5 : memref<512xi32, #tpu.memory_space<vmem>>) semaphore(%arg7 : memref<!tpu.dma_semaphore, #tpu.memory_space<semaphore_mem>>)
    %dma_wait3A_134 = arith.constant 0 : i32
    %dma_wait3A_135 = arith.constant 0 : i32
    %dma_wait3A_136 = tpu.memref_slice %arg3[%dma_wait3A_134, %dma_wait3A_135] : memref<250000x128xf32, #tpu.memory_space<hbm>> -> memref<250000x128xf32, #tpu.memory_space<hbm>>
    tpu.wait_indirect_dma semaphore(%arg7 : memref<!tpu.dma_semaphore, #tpu.memory_space<semaphore_mem>>) src(%dma_wait3A_136 : memref<250000x128xf32, #tpu.memory_space<hbm>>) dst(%arg6 : memref<512x128xf32, #tpu.memory_space<vmem>>)
    "tpu.region"() ({
      %run_scoped3A = tpu.sem_alloc : memref<!tpu.dma_semaphore, #tpu.memory_space<semaphore_mem>>
      %dma_start3A_161 = arith.constant 0 : i32
      %dma_start3A_162 = tpu.memref_slice %arg4[%add3A_130, %dma_start3A_161] : memref<327680x128xf32, #tpu.memory_space<hbm>> -> memref<512x128xf32, #tpu.memory_space<hbm>>
      %dma_start3A_163 = arith.constant 0 : i32
      %dma_start3A_164 = tpu.memref_slice %arg4[%add3A_130, %dma_start3A_163] : memref<327680x128xf32, #tpu.memory_space<hbm>> -> memref<512x128xf32, #tpu.memory_space<hbm>>
      tpu.enqueue_dma source(%arg6 : memref<512x128xf32, #tpu.memory_space<vmem>>) target(%dma_start3A_164 : memref<512x128xf32, #tpu.memory_space<hbm>>) target_semaphore(%run_scoped3A : memref<!tpu.dma_semaphore, #tpu.memory_space<semaphore_mem>>)
      %dma_wait3A_165 = arith.constant 0 : i32
      %dma_wait3A_166 = tpu.memref_slice %arg4[%add3A_130, %dma_wait3A_165] : memref<327680x128xf32, #tpu.memory_space<hbm>> -> memref<512x128xf32, #tpu.memory_space<hbm>>
      %dma_wait3A_167 = arith.constant 0 : i32
      %dma_wait3A_168 = tpu.memref_slice %arg4[%add3A_130, %dma_wait3A_167] : memref<327680x128xf32, #tpu.memory_space<hbm>> -> memref<512x128xf32, #tpu.memory_space<hbm>>
      tpu.wait_dma2 semaphore(%run_scoped3A : memref<!tpu.dma_semaphore, #tpu.memory_space<semaphore_mem>>) src(%arg6 : memref<512x128xf32, #tpu.memory_space<vmem>>) dst(%dma_wait3A_168 : memref<512x128xf32, #tpu.memory_space<hbm>>)
      tpu.yield
    }) : () -> ()
    %add3A_137 = arith.constant 8704 : i32
    %add3A_138 = arith.addi %mul3A_2, %add3A_137 : i32
    "tpu.region"() ({
      %run_scoped3A = tpu.sem_alloc : memref<!tpu.dma_semaphore, #tpu.memory_space<semaphore_mem>>
      %dma_start3A_161 = tpu.memref_slice %arg2[%add3A_138] : memref<327680xi32, #tpu.memory_space<hbm>> -> memref<512xi32, #tpu.memory_space<hbm>>
      %dma_start3A_162 = tpu.memref_slice %arg2[%add3A_138] : memref<327680xi32, #tpu.memory_space<hbm>> -> memref<512xi32, #tpu.memory_space<hbm>>
      tpu.enqueue_dma source(%dma_start3A_162 : memref<512xi32, #tpu.memory_space<hbm>>) target(%arg5 : memref<512xi32, #tpu.memory_space<vmem>>) target_semaphore(%run_scoped3A : memref<!tpu.dma_semaphore, #tpu.memory_space<semaphore_mem>>)
      %dma_wait3A_163 = tpu.memref_slice %arg2[%add3A_138] : memref<327680xi32, #tpu.memory_space<hbm>> -> memref<512xi32, #tpu.memory_space<hbm>>
      %dma_wait3A_164 = tpu.memref_slice %arg2[%add3A_138] : memref<327680xi32, #tpu.memory_space<hbm>> -> memref<512xi32, #tpu.memory_space<hbm>>
      tpu.wait_dma2 semaphore(%run_scoped3A : memref<!tpu.dma_semaphore, #tpu.memory_space<semaphore_mem>>) src(%dma_wait3A_164 : memref<512xi32, #tpu.memory_space<hbm>>) dst(%arg5 : memref<512xi32, #tpu.memory_space<vmem>>)
      tpu.yield
    }) : () -> ()
    %dma_start3A_139 = arith.constant 0 : i32
    %dma_start3A_140 = arith.constant 0 : i32
    %dma_start3A_141 = tpu.memref_slice %arg3[%dma_start3A_139, %dma_start3A_140] : memref<250000x128xf32, #tpu.memory_space<hbm>> -> memref<250000x128xf32, #tpu.memory_space<hbm>>
    tpu.enqueue_indirect_dma source(%dma_start3A_141 : memref<250000x128xf32, #tpu.memory_space<hbm>>) target(%arg6 : memref<512x128xf32, #tpu.memory_space<vmem>>) offsets(%arg5 : memref<512xi32, #tpu.memory_space<vmem>>) semaphore(%arg7 : memref<!tpu.dma_semaphore, #tpu.memory_space<semaphore_mem>>)
    %dma_wait3A_142 = arith.constant 0 : i32
    %dma_wait3A_143 = arith.constant 0 : i32
    %dma_wait3A_144 = tpu.memref_slice %arg3[%dma_wait3A_142, %dma_wait3A_143] : memref<250000x128xf32, #tpu.memory_space<hbm>> -> memref<250000x128xf32, #tpu.memory_space<hbm>>
    tpu.wait_indirect_dma semaphore(%arg7 : memref<!tpu.dma_semaphore, #tpu.memory_space<semaphore_mem>>) src(%dma_wait3A_144 : memref<250000x128xf32, #tpu.memory_space<hbm>>) dst(%arg6 : memref<512x128xf32, #tpu.memory_space<vmem>>)
    "tpu.region"() ({
      %run_scoped3A = tpu.sem_alloc : memref<!tpu.dma_semaphore, #tpu.memory_space<semaphore_mem>>
      %dma_start3A_161 = arith.constant 0 : i32
      %dma_start3A_162 = tpu.memref_slice %arg4[%add3A_138, %dma_start3A_161] : memref<327680x128xf32, #tpu.memory_space<hbm>> -> memref<512x128xf32, #tpu.memory_space<hbm>>
      %dma_start3A_163 = arith.constant 0 : i32
      %dma_start3A_164 = tpu.memref_slice %arg4[%add3A_138, %dma_start3A_163] : memref<327680x128xf32, #tpu.memory_space<hbm>> -> memref<512x128xf32, #tpu.memory_space<hbm>>
      tpu.enqueue_dma source(%arg6 : memref<512x128xf32, #tpu.memory_space<vmem>>) target(%dma_start3A_164 : memref<512x128xf32, #tpu.memory_space<hbm>>) target_semaphore(%run_scoped3A : memref<!tpu.dma_semaphore, #tpu.memory_space<semaphore_mem>>)
      %dma_wait3A_165 = arith.constant 0 : i32
      %dma_wait3A_166 = tpu.memref_slice %arg4[%add3A_138, %dma_wait3A_165] : memref<327680x128xf32, #tpu.memory_space<hbm>> -> memref<512x128xf32, #tpu.memory_space<hbm>>
      %dma_wait3A_167 = arith.constant 0 : i32
      %dma_wait3A_168 = tpu.memref_slice %arg4[%add3A_138, %dma_wait3A_167] : memref<327680x128xf32, #tpu.memory_space<hbm>> -> memref<512x128xf32, #tpu.memory_space<hbm>>
      tpu.wait_dma2 semaphore(%run_scoped3A : memref<!tpu.dma_semaphore, #tpu.memory_space<semaphore_mem>>) src(%arg6 : memref<512x128xf32, #tpu.memory_space<vmem>>) dst(%dma_wait3A_168 : memref<512x128xf32, #tpu.memory_space<hbm>>)
      tpu.yield
    }) : () -> ()
    %add3A_145 = arith.constant 9216 : i32
    %add3A_146 = arith.addi %mul3A_2, %add3A_145 : i32
    "tpu.region"() ({
      %run_scoped3A = tpu.sem_alloc : memref<!tpu.dma_semaphore, #tpu.memory_space<semaphore_mem>>
      %dma_start3A_161 = tpu.memref_slice %arg2[%add3A_146] : memref<327680xi32, #tpu.memory_space<hbm>> -> memref<512xi32, #tpu.memory_space<hbm>>
      %dma_start3A_162 = tpu.memref_slice %arg2[%add3A_146] : memref<327680xi32, #tpu.memory_space<hbm>> -> memref<512xi32, #tpu.memory_space<hbm>>
      tpu.enqueue_dma source(%dma_start3A_162 : memref<512xi32, #tpu.memory_space<hbm>>) target(%arg5 : memref<512xi32, #tpu.memory_space<vmem>>) target_semaphore(%run_scoped3A : memref<!tpu.dma_semaphore, #tpu.memory_space<semaphore_mem>>)
      %dma_wait3A_163 = tpu.memref_slice %arg2[%add3A_146] : memref<327680xi32, #tpu.memory_space<hbm>> -> memref<512xi32, #tpu.memory_space<hbm>>
      %dma_wait3A_164 = tpu.memref_slice %arg2[%add3A_146] : memref<327680xi32, #tpu.memory_space<hbm>> -> memref<512xi32, #tpu.memory_space<hbm>>
      tpu.wait_dma2 semaphore(%run_scoped3A : memref<!tpu.dma_semaphore, #tpu.memory_space<semaphore_mem>>) src(%dma_wait3A_164 : memref<512xi32, #tpu.memory_space<hbm>>) dst(%arg5 : memref<512xi32, #tpu.memory_space<vmem>>)
      tpu.yield
    }) : () -> ()
    %dma_start3A_147 = arith.constant 0 : i32
    %dma_start3A_148 = arith.constant 0 : i32
    %dma_start3A_149 = tpu.memref_slice %arg3[%dma_start3A_147, %dma_start3A_148] : memref<250000x128xf32, #tpu.memory_space<hbm>> -> memref<250000x128xf32, #tpu.memory_space<hbm>>
    tpu.enqueue_indirect_dma source(%dma_start3A_149 : memref<250000x128xf32, #tpu.memory_space<hbm>>) target(%arg6 : memref<512x128xf32, #tpu.memory_space<vmem>>) offsets(%arg5 : memref<512xi32, #tpu.memory_space<vmem>>) semaphore(%arg7 : memref<!tpu.dma_semaphore, #tpu.memory_space<semaphore_mem>>)
    %dma_wait3A_150 = arith.constant 0 : i32
    %dma_wait3A_151 = arith.constant 0 : i32
    %dma_wait3A_152 = tpu.memref_slice %arg3[%dma_wait3A_150, %dma_wait3A_151] : memref<250000x128xf32, #tpu.memory_space<hbm>> -> memref<250000x128xf32, #tpu.memory_space<hbm>>
    tpu.wait_indirect_dma semaphore(%arg7 : memref<!tpu.dma_semaphore, #tpu.memory_space<semaphore_mem>>) src(%dma_wait3A_152 : memref<250000x128xf32, #tpu.memory_space<hbm>>) dst(%arg6 : memref<512x128xf32, #tpu.memory_space<vmem>>)
    "tpu.region"() ({
      %run_scoped3A = tpu.sem_alloc : memref<!tpu.dma_semaphore, #tpu.memory_space<semaphore_mem>>
      %dma_start3A_161 = arith.constant 0 : i32
      %dma_start3A_162 = tpu.memref_slice %arg4[%add3A_146, %dma_start3A_161] : memref<327680x128xf32, #tpu.memory_space<hbm>> -> memref<512x128xf32, #tpu.memory_space<hbm>>
      %dma_start3A_163 = arith.constant 0 : i32
      %dma_start3A_164 = tpu.memref_slice %arg4[%add3A_146, %dma_start3A_163] : memref<327680x128xf32, #tpu.memory_space<hbm>> -> memref<512x128xf32, #tpu.memory_space<hbm>>
      tpu.enqueue_dma source(%arg6 : memref<512x128xf32, #tpu.memory_space<vmem>>) target(%dma_start3A_164 : memref<512x128xf32, #tpu.memory_space<hbm>>) target_semaphore(%run_scoped3A : memref<!tpu.dma_semaphore, #tpu.memory_space<semaphore_mem>>)
      %dma_wait3A_165 = arith.constant 0 : i32
      %dma_wait3A_166 = tpu.memref_slice %arg4[%add3A_146, %dma_wait3A_165] : memref<327680x128xf32, #tpu.memory_space<hbm>> -> memref<512x128xf32, #tpu.memory_space<hbm>>
      %dma_wait3A_167 = arith.constant 0 : i32
      %dma_wait3A_168 = tpu.memref_slice %arg4[%add3A_146, %dma_wait3A_167] : memref<327680x128xf32, #tpu.memory_space<hbm>> -> memref<512x128xf32, #tpu.memory_space<hbm>>
      tpu.wait_dma2 semaphore(%run_scoped3A : memref<!tpu.dma_semaphore, #tpu.memory_space<semaphore_mem>>) src(%arg6 : memref<512x128xf32, #tpu.memory_space<vmem>>) dst(%dma_wait3A_168 : memref<512x128xf32, #tpu.memory_space<hbm>>)
      tpu.yield
    }) : () -> ()
    %add3A_153 = arith.constant 9728 : i32
    %add3A_154 = arith.addi %mul3A_2, %add3A_153 : i32
    "tpu.region"() ({
      %run_scoped3A = tpu.sem_alloc : memref<!tpu.dma_semaphore, #tpu.memory_space<semaphore_mem>>
      %dma_start3A_161 = tpu.memref_slice %arg2[%add3A_154] : memref<327680xi32, #tpu.memory_space<hbm>> -> memref<512xi32, #tpu.memory_space<hbm>>
      %dma_start3A_162 = tpu.memref_slice %arg2[%add3A_154] : memref<327680xi32, #tpu.memory_space<hbm>> -> memref<512xi32, #tpu.memory_space<hbm>>
      tpu.enqueue_dma source(%dma_start3A_162 : memref<512xi32, #tpu.memory_space<hbm>>) target(%arg5 : memref<512xi32, #tpu.memory_space<vmem>>) target_semaphore(%run_scoped3A : memref<!tpu.dma_semaphore, #tpu.memory_space<semaphore_mem>>)
      %dma_wait3A_163 = tpu.memref_slice %arg2[%add3A_154] : memref<327680xi32, #tpu.memory_space<hbm>> -> memref<512xi32, #tpu.memory_space<hbm>>
      %dma_wait3A_164 = tpu.memref_slice %arg2[%add3A_154] : memref<327680xi32, #tpu.memory_space<hbm>> -> memref<512xi32, #tpu.memory_space<hbm>>
      tpu.wait_dma2 semaphore(%run_scoped3A : memref<!tpu.dma_semaphore, #tpu.memory_space<semaphore_mem>>) src(%dma_wait3A_164 : memref<512xi32, #tpu.memory_space<hbm>>) dst(%arg5 : memref<512xi32, #tpu.memory_space<vmem>>)
      tpu.yield
    }) : () -> ()
    %dma_start3A_155 = arith.constant 0 : i32
    %dma_start3A_156 = arith.constant 0 : i32
    %dma_start3A_157 = tpu.memref_slice %arg3[%dma_start3A_155, %dma_start3A_156] : memref<250000x128xf32, #tpu.memory_space<hbm>> -> memref<250000x128xf32, #tpu.memory_space<hbm>>
    tpu.enqueue_indirect_dma source(%dma_start3A_157 : memref<250000x128xf32, #tpu.memory_space<hbm>>) target(%arg6 : memref<512x128xf32, #tpu.memory_space<vmem>>) offsets(%arg5 : memref<512xi32, #tpu.memory_space<vmem>>) semaphore(%arg7 : memref<!tpu.dma_semaphore, #tpu.memory_space<semaphore_mem>>)
    %dma_wait3A_158 = arith.constant 0 : i32
    %dma_wait3A_159 = arith.constant 0 : i32
    %dma_wait3A_160 = tpu.memref_slice %arg3[%dma_wait3A_158, %dma_wait3A_159] : memref<250000x128xf32, #tpu.memory_space<hbm>> -> memref<250000x128xf32, #tpu.memory_space<hbm>>
    tpu.wait_indirect_dma semaphore(%arg7 : memref<!tpu.dma_semaphore, #tpu.memory_space<semaphore_mem>>) src(%dma_wait3A_160 : memref<250000x128xf32, #tpu.memory_space<hbm>>) dst(%arg6 : memref<512x128xf32, #tpu.memory_space<vmem>>)
    "tpu.region"() ({
      %run_scoped3A = tpu.sem_alloc : memref<!tpu.dma_semaphore, #tpu.memory_space<semaphore_mem>>
      %dma_start3A_161 = arith.constant 0 : i32
      %dma_start3A_162 = tpu.memref_slice %arg4[%add3A_154, %dma_start3A_161] : memref<327680x128xf32, #tpu.memory_space<hbm>> -> memref<512x128xf32, #tpu.memory_space<hbm>>
      %dma_start3A_163 = arith.constant 0 : i32
      %dma_start3A_164 = tpu.memref_slice %arg4[%add3A_154, %dma_start3A_163] : memref<327680x128xf32, #tpu.memory_space<hbm>> -> memref<512x128xf32, #tpu.memory_space<hbm>>
      tpu.enqueue_dma source(%arg6 : memref<512x128xf32, #tpu.memory_space<vmem>>) target(%dma_start3A_164 : memref<512x128xf32, #tpu.memory_space<hbm>>) target_semaphore(%run_scoped3A : memref<!tpu.dma_semaphore, #tpu.memory_space<semaphore_mem>>)
      %dma_wait3A_165 = arith.constant 0 : i32
      %dma_wait3A_166 = tpu.memref_slice %arg4[%add3A_154, %dma_wait3A_165] : memref<327680x128xf32, #tpu.memory_space<hbm>> -> memref<512x128xf32, #tpu.memory_space<hbm>>
      %dma_wait3A_167 = arith.constant 0 : i32
      %dma_wait3A_168 = tpu.memref_slice %arg4[%add3A_154, %dma_wait3A_167] : memref<327680x128xf32, #tpu.memory_space<hbm>> -> memref<512x128xf32, #tpu.memory_space<hbm>>
      tpu.wait_dma2 semaphore(%run_scoped3A : memref<!tpu.dma_semaphore, #tpu.memory_space<semaphore_mem>>) src(%arg6 : memref<512x128xf32, #tpu.memory_space<vmem>>) dst(%dma_wait3A_168 : memref<512x128xf32, #tpu.memory_space<hbm>>)
      tpu.yield
    }) : () -> ()
    return
  }
}

</mosaic_0001>

<sc_bundles>
// kernel: _sc_gather_rows.3.cloned.1.call-start
scs
__scs_entry_jumppad:
0x0: {  	(pc) =	sbr.rel $0x88, $3  }
0x1: {  	(tag) =	ssettag $0x0;
	lr =	simm.s32 $0x1  }
0x2: {  	[smem:$0x3F9F] =	sst lr;
	_ =	strace $0xD0000000  }
0x3: {  	_ = 	snop  }
0x4: {  	_ = 	snop  }
0x5: {  	_ = 	snop  }
0x6: {  	_ = 	snop  }
0x7: {  	_ = 	snop  }
__scs_overlays_trampoline_lowered:
0x8: {  	[smem:$0x3FAE] =	sst s0  }
0x9: {  	[smem:$0x3FAF] =	sst s1  }
0xa: {  	[smem:$0x3FB0] =	sst s2  }
0xb: {  	[smem:$0x3FB1] =	sst s3  }
0xc: {  	[smem:$0x3FB2] =	sst s4  }
0xd: {  	[smem:$0x3FB3] =	sst s5  }
0xe: {  	[smem:$0x3FB4] =	sst s6  }
0xf: {  	[smem:$0x3FB5] =	sst s7  }
0x10: {  	[smem:$0x3FB6] =	sst s8  }
0x11: {  	[smem:$0x3FB7] =	sst s9;
	s0 =	simm.s32 @!p0 $0x0  }
0x12: {  	s1 =	sld [smem:$0x3F9D];
	s0 =	simm.s32 @p0 $0x1  }
0x13: {  	[smem:$0x3FB8] =	sst s0;
	s0 =	simm.s32 @!p1 $0x0  }
0x14: {  	s2 =	sld [smem:$0x3F9C];
	s0 =	simm.s32 @p1 $0x1  }
0x15: {  	[smem:$0x3FB9] =	sst s0;
	s0 =	simm.s32 @!p2 $0x0  }
0x16: {  	s3 =	sld [smem:$0x3FDB];
	s0 =	simm.s32 @p2 $0x1  }
0x17: {  	s4 =	simm.s32 $0x1BF5;
	[smem:$0x3FBB] =	sst s0  }
0x18: {  	s0 =	sld [smem:$0x3F9E];
	_ =	swait.ge [sflag:s4], $0x0  }
0x19: {  	s7 =	sld [smem:$0x3F9F]  }
0x1a: {  	s8 =	sadd.s32 $0xFFFFE003, lr  }
0x1b: {  	s9 =	sadd.s32 $0xFFFFFEF7, lr;
	s5 =	simm.s32 $0xFFFFFFFF;
	p2 =	slt.u32 s8, $0xFFFFF086  }
0x1c: {  	p1 =	slt.u32 s9, $0xF7A;
	s5 =	simm.s32 @!p2 $0x0  }
0x1d: {  	s5 =	simm.s32 @p1 $0x1;
	p0 =	seq.s32 s7, s2  }
0x1e: {  	s7 =	smul.u32 @!p0 $0xF7A, s2;
	p2 =	seq.s32 @!p0 s5, $0x0  }
0x1f: {  	s9 =	smul.u32 $0xF7A, s1;
	s8 =	simm.s32 @!p0 $0x1BF5;
	p2 =	por !p2, p0  }
0x20: {  	[sflag:s8] =	ssyncset.s32 @!p0 $0xFFFFF086;
	s6 =	sadd.s32 @!p0 s3, s7;
	s7 =	simm.s32 @!p0 $0x108  }
0x21: {  	s3 =	sadd.s32 s3, s9;
	s6 =	sadd.s32 @!p0 $0x88, s6;
	s7 =	simm.s32 @p2 $0x1082  }
0x22: {  	[simem:s7], [sflag:s8] =	dma.local @!p0 [hbm:s6], $0xF7A  }
0x23: {  	s9 =	sor.u32 $0xD0000000, s2;
	s6 =	simm.s32 $0x108;
	_ =	swait.ge @!p0 [sflag:s8], $0x0  }
0x24: {  	s3 =	sadd.s32 $0x88, s3;
	s6 =	simm.s32 @!p1 $0x1082;
	[sflag:s4] =	ssyncset.s32 $0xFFFFF086  }
0x25: {  	[simem:s6], [sflag:s4] =	dma.local [hbm:s3], $0xF7A  }
0x26: {  	[smem:$0x3F9F] =	sst s1;
	(tag) =	ssettag s2;
	_ =	strace s9  }
0x27: {  	s1 =	sld [smem:$0x3FAF]  }
0x28: {  	s2 =	sld [smem:$0x3FB0]  }
0x29: {  	s4 =	sld [smem:$0x3FB2]  }
0x2a: {  	p0 =	seq.s32 s5, $0x0;
	s5 =	sld [smem:$0x3FB3]  }
0x2b: {  	s6 =	sld [smem:$0x3FB4]  }
0x2c: {  	s7 =	sld [smem:$0x3FB5]  }
0x2d: {  	s3 =	simm.s32 $0x108;
	s8 =	sld [smem:$0x3FB6]  }
0x2e: {  	s3 =	simm.s32 @!p0 $0x1082;
	s9 =	sld [smem:$0x3FB7]  }
0x2f: {  	lr =	sadd.s32 s0, s3;
	s0 =	sld [smem:$0x3FAE]  }
0x30: {  	s3 =	sld [smem:$0x3FB1]  }
0x31: {  	[smem:$0x3FBA] =	sst s10  }
0x32: {  	s10 =	sld [smem:$0x3FB8];
	_ =	sdelay $0x3  }
0x33: {  	p0 =	seq.s32 s10, $0x1;
	s10 =	sld [smem:$0x3FBA];
	_ =	sdelay $0x3  }
0x34: {  	[smem:$0x3FBA] =	sst s10  }
0x35: {  	s10 =	sld [smem:$0x3FB9];
	_ =	sdelay $0x3  }
0x36: {  	p1 =	seq.s32 s10, $0x1;
	s10 =	sld [smem:$0x3FBA];
	_ =	sdelay $0x3  }
0x37: {  	[smem:$0x3FBA] =	sst s10  }
0x38: {  	s10 =	sld [smem:$0x3FBB]  }
0x39: {  	_ = 	snop;
	(pc) =	sbr.ind lr, $3  }
0x3a: {  	_ = 	snop  }
0x3b: {  	_ = 	snop  }
0x3c: {  	p2 =	seq.s32 s10, $0x1;
	s10 =	sld [smem:$0x3FBA]  }
0x3d: {  	_ =	shalt  }
0x3e: {  	_ =	shalt  }
0x3f: {  	_ =	shalt  }
0x40: {  	_ =	shalt  }
0x41: {  	_ =	shalt  }
0x42: {  	_ =	shalt  }
0x43: {  	_ =	shalt  }
0x44: {  	_ =	shalt  }
0x45: {  	_ =	shalt  }
0x46: {  	_ =	shalt  }
0x47: {  	_ =	shalt  }
0x48: {  	_ =	shalt  }
0x49: {  	_ =	shalt  }
0x4a: {  	_ =	shalt  }
0x4b: {  	_ =	shalt  }
0x4c: {  	_ =	shalt  }
0x4d: {  	_ =	shalt  }
0x4e: {  	_ =	shalt  }
0x4f: {  	_ =	shalt  }
0x50: {  	_ =	shalt  }
0x51: {  	_ =	shalt  }
0x52: {  	_ =	shalt  }
0x53: {  	_ =	shalt  }
0x54: {  	_ =	shalt  }
0x55: {  	_ =	shalt  }
0x56: {  	_ =	shalt  }
0x57: {  	_ =	shalt  }
0x58: {  	_ =	shalt  }
0x59: {  	_ =	shalt  }
0x5a: {  	_ =	shalt  }
0x5b: {  	_ =	shalt  }
0x5c: {  	_ =	shalt  }
0x5d: {  	_ =	shalt  }
0x5e: {  	_ =	shalt  }
0x5f: {  	_ =	shalt  }
0x60: {  	_ =	shalt  }
0x61: {  	_ =	shalt  }
0x62: {  	_ =	shalt  }
0x63: {  	_ =	shalt  }
0x64: {  	_ =	shalt  }
0x65: {  	_ =	shalt  }
0x66: {  	_ =	shalt  }
0x67: {  	_ =	shalt  }
0x68: {  	_ =	shalt  }
0x69: {  	_ =	shalt  }
0x6a: {  	_ =	shalt  }
0x6b: {  	_ =	shalt  }
0x6c: {  	_ =	shalt  }
0x6d: {  	_ =	shalt  }
0x6e: {  	_ =	shalt  }
0x6f: {  	_ =	shalt  }
0x70: {  	_ =	shalt  }
0x71: {  	_ =	shalt  }
0x72: {  	_ =	shalt  }
0x73: {  	_ =	shalt  }
0x74: {  	_ =	shalt  }
0x75: {  	_ =	shalt  }
0x76: {  	_ =	shalt  }
0x77: {  	_ =	shalt  }
0x78: {  	_ =	shalt  }
0x79: {  	_ =	shalt  }
0x7a: {  	_ =	shalt  }
0x7b: {  	_ =	shalt  }
0x7c: {  	_ =	shalt  }
0x7d: {  	_ =	shalt  }
0x7e: {  	_ =	shalt  }
0x7f: {  	_ =	shalt  }
0x80: {  	_ =	shalt  }
0x81: {  	_ =	shalt  }
0x82: {  	_ =	shalt  }
0x83: {  	_ =	shalt  }
0x84: {  	_ =	shalt  }
0x85: {  	_ =	shalt  }
0x86: {  	_ =	shalt  }
0x87: {  	_ =	shalt  }
.Lfunc_end0:
.L_simem_size_0:
called_computation_lowered:
.L_overlay_start_0:
0x88: {  	s2 =	sld [smem:$0x3FD9]  }
0x89: {  	s3 =	sld [smem:$0x3FFE];
	_ =	sdelay $0x1  }
0x8a: {  	s1 =	srdreg.scid  }
0x8b: {  	s0 =	sand.u32 $0x1, s1  }
0x8c: {  	s18 =	sshll.u32 s0, $0xA;
	s2 =	sadd.s32 s3, s2  }
0x8d: {  	s2 =	sadd.s32 s2, s18  }
0x8e: {  	[smem:$0x3FC6] =	sst s2  }
0x8f: {  	_ = 	snop  }
0x90: {  	s2 =	sld [smem:$0x3FC9]  }
0x91: {  	s19 =	sld [smem:$0x3FC8]  }
0x92: {  	s4 =	sld [smem:$0x3FD0];
	(tm) =	ssettm $0x1  }
0x93: {  	s5 =	sld [smem:$0x3FFB];
	_ =	sdelay $0x3  }
0x94: {  	_ =	strace s5  }
0x95: {  	s5 =	sld [smem:$0x3FFC];
	_ =	sdelay $0x3  }
0x96: {  	_ =	strace s5  }
0x97: {  	s5 =	sld [smem:$0x3FFD];
	_ =	sdelay $0x3  }
0x98: {  	_ =	strace s5  }
0x99: {  	_ =	strace $0x8FFFFFFF  }
0x9a: {  	s20 =	sld [smem:$0x3FDB];
	_ =	sdelay $0x1  }
0x9b: {  	s6 =	simm.s32 $_scs_section_size  }
0x9c: {  	s7 =	simm.s32 $_size__tile_overlayer_lowered;
	s8 =	simm.s32 $_tile_overlayer_lowered  }
0x9d: {  	s23 =	simm.s32 $0x1BFF;
	s22 =	sshll.u32 s8, $0x1;
	s5 =	sadd.s32 s6, s20  }
0x9e: {  	s9 =	simm.s32 $0x0;
	s21 =	sshll.u32 s7, $0x1;
	s7 =	sadd.s32 s22, s5  }
0x9f: {  	[timem:s9], [sflag:s23] =	dma.local [hbm:s7], s21  }
0xa0: {  	_ =	swait.ge [sflag:s23], s21  }
0xa1: {  	s6 =	ssub.s32 $0x0, s21;
	[sflag:s23] =	ssyncset.done $0x0  }
0xa2: {  	[sflag:s23] =	ssyncadd.s32 s6;
	_ =	sdelay $0x1  }
0xa3: {  	s24 =	simm.s32 $0x1B8B  }
0xa4: {  	_ =	swait.ge [sflag:s24], $0x1  }
0xa5: {  	[sflag:s24] =	ssyncset.done $0x0  }
0xa6: {  	s25 =	simm.s32 $0x1B8E;
	[sflag:s24] =	ssyncadd.s32 $0xFFFFFFFF  }
0xa7: {  	s26 =	simm.s32 $execute0_lowered;
	[smem:$0x3FD2] =	sst s25  }
0xa8: {  	s6 =	sshll.u32 s26, $0x1;
	_ =	strace $0x80000046;
	[dreg:$0x1] =	wrdreg $0xFFFFFFFF  }
0xa9: {  	s28 =	simm.s32 $_size_execute0_lowered;
	s5 =	sadd.s32 s5, s6;
	[dreg:$0x0] =	wrdreg $0x0  }
0xaa: {  	s6 =	sshll.u32 s28, $0x1;
	[dreg:$0x2] =	wrdreg s5  }
0xab: {  	[dreg:$0x3] =	wrdreg s6  }
0xac: {  	[dreg:$0x4] =	wrdreg $0xC0  }
0xad: {  	_ =	task [dreg:s9], $0x5FFFF  }
0xae: {  	[dreg:$0x1] =	wrdreg $0xFFFFFFFF  }
0xaf: {  	[dreg:$0x0] =	wrdreg $0x60  }
0xb0: {  	[dreg:$0x2] =	wrdreg s2  }
0xb1: {  	[dreg:$0x3] =	wrdreg s19  }
0xb2: {  	[dreg:$0x4] =	wrdreg s4  }
0xb3: {  	[dreg:$0x5] =	wrdreg $0x9  }
0xb4: {  	_ =	task.clear_ibuf [dreg:s9], $0x6FFFF;
	_ =	strace $0x90000046  }
0xb5: {  	s29 =	simm.s32 $0x9;
	_ =	strace $0x80000048  }
0xb6: {  	_ =	swait.ge [sflag:s29], $0x1  }
0xb7: {  	[sflag:s29] =	ssyncadd.s32 $0xFFFFFFFF  }
0xb8: {  	_ =	strace $0x90000048  }
0xb9: {  	_ =	sfence  }
0xba: {  	s30 =	sld [smem:$0x0];
	_ =	sdelay $0x2  }
0xbb: {  	s31 =	sshll.u32 s1, $0xD;
	s1 =	sshrl.u32 s1, $0x2  }
0xbc: {  	s3 =	sand.u32 $0x4000, s31;
	s1 =	sadd.s32 s1, s30  }
0xbd: {  	s0 =	sor.u32 s3, s0;
	s1 =	sshll.u32 s1, $0x11  }
0xbe: {  	s0 =	sor.u32 s1, s0  }
0xbf: {  	s0 =	sadd.s32 $0x8F2B, s0  }
0xc0: {  	[sflag:s0] =	ssyncadd.remote.s32 $0x1  }
0xc1: {  	_ =	sfence.sel $0xFFFF  }
0xc2: {  	[dreg:$0x0] =	wrdreg $0xFFFFFFFF;
	(pc) =	sbr.abs _section_cstart, $3  }
0xc3: {  	[dreg:$0x1] =	wrdreg $0xFFFFFFFF  }
0xc4: {  	_ =	task.clear_ibuf [dreg:s9], $0x2FFFF;
	_ =	strace $0x9FFFFFFF  }
0xc5: {  	(tm) =	ssettm $0x7FFFFFFF  }
tec
execute0_lowered:
.L_overlay_start_1:
0x0: {  	(tag) =	ssettag $0x1  }
0x1: {  	s0 =	srdreg.scid;
	s1 =	stileid.u32  }
0x2: {  	s30 =	rddreg [dreg:$0x0];
	s3 =	sand.u32 $0x1, s0;
	s6 =	sshll.u32 s1, $0x1  }
0x3: {  	s2 =	rddreg [dreg:$0x1];
	s4 =	sor.u32 s3, s6  }
0x4: {  	[dreg:$0x14] =	wrdreg s3;
	s3 =	simm.s32 $0x0;
	s0 =	smul.u32 $0x2800, s4  }
0x5: {  	[smem:$0x7FF] =	sst s3;
	s4 =	smul.u32 $0x28000, s4  }
0x6: {  	s1 =	rddreg [dreg:$0x2];
	_ =	strace $0x80000047;
	s5 =	sshrl.u32 s0, $0x3  }
0x7: {  	s4 =	sadd.s32 s1, s4;
	s7 =	sor.u32 $0x200, s0;
	s6 =	sor.u32 $0x400, s0  }
0x8: {  	s14 =	sor.u32 $0x600, s0;
	s16 =	sadd.s32 $0x800, s0;
	s24 =	sadd.s32 $0xC00, s0  }
0x9: {  	s5 =	sadd.s32 s30, s5;
	[dreg:$0x5] =	wrdreg s4;
	s8 =	sshrl.u32 s7, $0x3  }
0xa: {  	s10 =	sshrl.u32 s6, $0x3;
	[dreg:$0x4] =	wrdreg s5;
	s4 =	sadd.s32 s30, s8  }
0xb: {  	s12 =	sshll.u32 s6, $0x4;
	s11 =	sadd.s32 s30, s10;
	[dreg:$0x6] =	wrdreg s4  }
0xc: {  	s18 =	sshrl.u32 s16, $0x3;
	s13 =	sadd.s32 s1, s12;
	[dreg:$0x8] =	wrdreg s11  }
0xd: {  	s20 =	sshll.u32 s16, $0x4;
	s19 =	sadd.s32 s30, s18;
	[dreg:$0x9] =	wrdreg s13  }
0xe: {  	s6 =	sshll.u32 s24, $0x4;
	s21 =	sadd.s32 s1, s20;
	[dreg:$0xc] =	wrdreg s19  }
0xf: {  	s5 =	sshll.u32 s7, $0x4;
	s7 =	sadd.s32 s1, s6;
	[dreg:$0xd] =	wrdreg s21  }
0x10: {  	s22 =	sadd.s32 $0xA00, s0;
	s15 =	sshrl.u32 s14, $0x3;
	[dreg:$0x11] =	wrdreg s7  }
0x11: {  	s23 =	sshrl.u32 s22, $0x3;
	s9 =	sadd.s32 s1, s5;
	s10 =	rddreg [dreg:$0x4]  }
0x12: {  	s4 =	sadd.s32 s30, s15;
	s5 =	sshll.u32 s14, $0x4;
	[dreg:$0x7] =	wrdreg s9  }
0x13: {  	s26 =	sshrl.u32 s24, $0x3;
	[dreg:$0xa] =	wrdreg s4;
	s17 =	sadd.s32 s1, s5  }
0x14: {  	[tilespmem:s3], [sflag:$0x2] =	stream.linear.gather [hbm4b:s10+s3], $0x200, $0x38;
	[tilespmem:$0x10200] =	vst v63  }
0x15: {  	s4 =	sadd.s32 s30, s23;
	s5 =	sshll.u32 s22, $0x4;
	[dreg:$0xb] =	wrdreg s17  }
0x16: {  	s8 =	sadd.s32 $0xE00, s0;
	[dreg:$0xe] =	wrdreg s4;
	s25 =	sadd.s32 s1, s5  }
0x17: {  	s9 =	sshrl.u32 s8, $0x3;
	s5 =	sadd.s32 s30, s26;
	[dreg:$0xf] =	wrdreg s25  }
0x18: {  	s4 =	sadd.s32 s30, s9;
	[dreg:$0x10] =	wrdreg s5;
	s5 =	sshll.u32 s8, $0x4  }
0x19: {  	[dreg:$0x12] =	wrdreg s4;
	s11 =	sadd.s32 s1, s5  }
0x1a: {  	s4 =	simm.s32 $0x2;
	[dreg:$0x13] =	wrdreg s11  }
0x1b: {  	_ =	swait.ge [sflag:s4], $0x200  }
0x1c: {  	[sflag:s4] =	ssyncset.done $0x0  }
0x1d: {  	s6 =	simm.s32 $0x1;
	s5 =	simm.s32 $0x200;
	[sflag:s4] =	ssyncadd.s32 $0xFFFFFE00  }
0x1e: {  	[tilespmem:s5], [sflag:$0x1] =	stream.indirect.gather [hbm4b:s2+s5], $0x80, s3, s5, $0xb8;
	[tilespmem:$0x10200] =	vst v63  }
0x1f: {  	_ =	swait.ge [sflag:s6], $0x10000  }
0x20: {  	[sflag:s6] =	ssyncset.done $0x0  }
0x21: {  	s7 =	rddreg [dreg:$0x5];
	[sflag:s6] =	ssyncadd.s32 $0xFFFF0000  }
0x22: {  	[hbm4b:s7+s3] =	stream.linear.scatter [tilespmem:s5], [sflag:$0x2], $0x10000, $0x38;
	[tilespmem:$0x10200] =	vst v63  }
0x23: {  	_ =	swait.ge [sflag:s4], $0x10000  }
0x24: {  	[sflag:s4] =	ssyncset.done $0x0  }
0x25: {  	s12 =	rddreg [dreg:$0x6];
	[sflag:s4] =	ssyncadd.s32 $0xFFFF0000  }
0x26: {  	[tilespmem:s3], [sflag:$0x2] =	stream.linear.gather [hbm4b:s12+s3], $0x200, $0x38;
	[tilespmem:$0x10200] =	vst v63  }
0x27: {  	_ =	swait.ge [sflag:s4], $0x200  }
0x28: {  	[sflag:s4] =	ssyncset.done $0x0  }
0x29: {  	[sflag:s4] =	ssyncadd.s32 $0xFFFFFE00  }
0x2a: {  	[tilespmem:s5], [sflag:$0x1] =	stream.indirect.gather [hbm4b:s2+s5], $0x80, s3, s5, $0xb8;
	[tilespmem:$0x10200] =	vst v63  }
0x2b: {  	_ =	swait.ge [sflag:s6], $0x10000  }
0x2c: {  	[sflag:s6] =	ssyncset.done $0x0  }
0x2d: {  	s13 =	rddreg [dreg:$0x7];
	[sflag:s6] =	ssyncadd.s32 $0xFFFF0000  }
0x2e: {  	[hbm4b:s13+s3] =	stream.linear.scatter [tilespmem:s5], [sflag:$0x2], $0x10000, $0x38;
	[tilespmem:$0x10200] =	vst v63  }
0x2f: {  	_ =	swait.ge [sflag:s4], $0x10000  }
0x30: {  	[sflag:s4] =	ssyncset.done $0x0  }
0x31: {  	s14 =	rddreg [dreg:$0x8];
	[sflag:s4] =	ssyncadd.s32 $0xFFFF0000  }
0x32: {  	[tilespmem:s3], [sflag:$0x2] =	stream.linear.gather [hbm4b:s14+s3], $0x200, $0x38;
	[tilespmem:$0x10200] =	vst v63  }
0x33: {  	_ =	swait.ge [sflag:s4], $0x200  }
0x34: {  	[sflag:s4] =	ssyncset.done $0x0  }
0x35: {  	[sflag:s4] =	ssyncadd.s32 $0xFFFFFE00  }
0x36: {  	[tilespmem:s5], [sflag:$0x1] =	stream.indirect.gather [hbm4b:s2+s5], $0x80, s3, s5, $0xb8;
	[tilespmem:$0x10200] =	vst v63  }
0x37: {  	_ =	swait.ge [sflag:s6], $0x10000  }
0x38: {  	[sflag:s6] =	ssyncset.done $0x0  }
0x39: {  	s15 =	rddreg [dreg:$0x9];
	[sflag:s6] =	ssyncadd.s32 $0xFFFF0000  }
0x3a: {  	[hbm4b:s15+s3] =	stream.linear.scatter [tilespmem:s5], [sflag:$0x2], $0x10000, $0x38;
	[tilespmem:$0x10200] =	vst v63  }
0x3b: {  	_ =	swait.ge [sflag:s4], $0x10000  }
0x3c: {  	[sflag:s4] =	ssyncset.done $0x0  }
0x3d: {  	s16 =	rddreg [dreg:$0xa];
	[sflag:s4] =	ssyncadd.s32 $0xFFFF0000  }
0x3e: {  	[tilespmem:s3], [sflag:$0x2] =	stream.linear.gather [hbm4b:s16+s3], $0x200, $0x38;
	[tilespmem:$0x10200] =	vst v63  }
0x3f: {  	_ =	swait.ge [sflag:s4], $0x200  }
0x40: {  	[sflag:s4] =	ssyncset.done $0x0  }
0x41: {  	[sflag:s4] =	ssyncadd.s32 $0xFFFFFE00  }
0x42: {  	[tilespmem:s5], [sflag:$0x1] =	stream.indirect.gather [hbm4b:s2+s5], $0x80, s3, s5, $0xb8;
	[tilespmem:$0x10200] =	vst v63  }
0x43: {  	_ =	swait.ge [sflag:s6], $0x10000  }
0x44: {  	[sflag:s6] =	ssyncset.done $0x0  }
0x45: {  	s17 =	rddreg [dreg:$0xb];
	[sflag:s6] =	ssyncadd.s32 $0xFFFF0000  }
0x46: {  	[hbm4b:s17+s3] =	stream.linear.scatter [tilespmem:s5], [sflag:$0x2], $0x10000, $0x38;
	[tilespmem:$0x10200] =	vst v63  }
0x47: {  	_ =	swait.ge [sflag:s4], $0x10000  }
0x48: {  	[sflag:s4] =	ssyncset.done $0x0  }
0x49: {  	s18 =	rddreg [dreg:$0xc];
	[sflag:s4] =	ssyncadd.s32 $0xFFFF0000  }
0x4a: {  	[tilespmem:s3], [sflag:$0x2] =	stream.linear.gather [hbm4b:s18+s3], $0x200, $0x38;
	[tilespmem:$0x10200] =	vst v63  }
0x4b: {  	_ =	swait.ge [sflag:s4], $0x200  }
0x4c: {  	[sflag:s4] =	ssyncset.done $0x0  }
0x4d: {  	[sflag:s4] =	ssyncadd.s32 $0xFFFFFE00  }
0x4e: {  	[tilespmem:s5], [sflag:$0x1] =	stream.indirect.gather [hbm4b:s2+s5], $0x80, s3, s5, $0xb8;
	[tilespmem:$0x10200] =	vst v63  }
0x4f: {  	_ =	swait.ge [sflag:s6], $0x10000  }
0x50: {  	[sflag:s6] =	ssyncset.done $0x0  }
0x51: {  	s19 =	rddreg [dreg:$0xd];
	[sflag:s6] =	ssyncadd.s32 $0xFFFF0000  }
0x52: {  	[hbm4b:s19+s3] =	stream.linear.scatter [tilespmem:s5], [sflag:$0x2], $0x10000, $0x38;
	[tilespmem:$0x10200] =	vst v63  }
0x53: {  	_ =	swait.ge [sflag:s4], $0x10000  }
0x54: {  	[sflag:s4] =	ssyncset.done $0x0  }
0x55: {  	s20 =	rddreg [dreg:$0xe];
	[sflag:s4] =	ssyncadd.s32 $0xFFFF0000  }
0x56: {  	[tilespmem:s3], [sflag:$0x2] =	stream.linear.gather [hbm4b:s20+s3], $0x200, $0x38;
	[tilespmem:$0x10200] =	vst v63  }
0x57: {  	_ =	swait.ge [sflag:s4], $0x200  }
0x58: {  	[sflag:s4] =	ssyncset.done $0x0  }
0x59: {  	[sflag:s4] =	ssyncadd.s32 $0xFFFFFE00  }
0x5a: {  	[tilespmem:s5], [sflag:$0x1] =	stream.indirect.gather [hbm4b:s2+s5], $0x80, s3, s5, $0xb8;
	[tilespmem:$0x10200] =	vst v63  }
0x5b: {  	_ =	swait.ge [sflag:s6], $0x10000  }
0x5c: {  	[sflag:s6] =	ssyncset.done $0x0  }
0x5d: {  	s21 =	rddreg [dreg:$0xf];
	[sflag:s6] =	ssyncadd.s32 $0xFFFF0000  }
0x5e: {  	[hbm4b:s21+s3] =	stream.linear.scatter [tilespmem:s5], [sflag:$0x2], $0x10000, $0x38;
	[tilespmem:$0x10200] =	vst v63  }
0x5f: {  	_ =	swait.ge [sflag:s4], $0x10000  }
0x60: {  	[sflag:s4] =	ssyncset.done $0x0  }
0x61: {  	s22 =	rddreg [dreg:$0x10];
	[sflag:s4] =	ssyncadd.s32 $0xFFFF0000  }
0x62: {  	[tilespmem:s3], [sflag:$0x2] =	stream.linear.gather [hbm4b:s22+s3], $0x200, $0x38;
	[tilespmem:$0x10200] =	vst v63  }
0x63: {  	_ =	swait.ge [sflag:s4], $0x200  }
0x64: {  	[sflag:s4] =	ssyncset.done $0x0  }
0x65: {  	[sflag:s4] =	ssyncadd.s32 $0xFFFFFE00  }
0x66: {  	[tilespmem:s5], [sflag:$0x1] =	stream.indirect.gather [hbm4b:s2+s5], $0x80, s3, s5, $0xb8;
	[tilespmem:$0x10200] =	vst v63  }
0x67: {  	_ =	swait.ge [sflag:s6], $0x10000  }
0x68: {  	[sflag:s6] =	ssyncset.done $0x0  }
0x69: {  	s23 =	rddreg [dreg:$0x11];
	[sflag:s6] =	ssyncadd.s32 $0xFFFF0000  }
0x6a: {  	[hbm4b:s23+s3] =	stream.linear.scatter [tilespmem:s5], [sflag:$0x2], $0x10000, $0x38;
	[tilespmem:$0x10200] =	vst v63  }
0x6b: {  	_ =	swait.ge [sflag:s4], $0x10000  }
0x6c: {  	[sflag:s4] =	ssyncset.done $0x0  }
0x6d: {  	s24 =	rddreg [dreg:$0x12];
	[sflag:s4] =	ssyncadd.s32 $0xFFFF0000  }
0x6e: {  	[tilespmem:s3], [sflag:$0x2] =	stream.linear.gather [hbm4b:s24+s3], $0x200, $0x38;
	[tilespmem:$0x10200] =	vst v63  }
0x6f: {  	_ =	swait.ge [sflag:s4], $0x200  }
0x70: {  	[sflag:s4] =	ssyncset.done $0x0  }
0x71: {  	[sflag:s4] =	ssyncadd.s32 $0xFFFFFE00  }
0x72: {  	[tilespmem:s5], [sflag:$0x1] =	stream.indirect.gather [hbm4b:s2+s5], $0x80, s3, s5, $0xb8;
	[tilespmem:$0x10200] =	vst v63  }
0x73: {  	_ =	swait.ge [sflag:s6], $0x10000  }
0x74: {  	[sflag:s6] =	ssyncset.done $0x0  }
0x75: {  	s25 =	rddreg [dreg:$0x13];
	[sflag:s6] =	ssyncadd.s32 $0xFFFF0000  }
0x76: {  	[hbm4b:s25+s3] =	stream.linear.scatter [tilespmem:s5], [sflag:$0x2], $0x10000, $0x38;
	[tilespmem:$0x10200] =	vst v63  }
0x77: {  	s8 =	sadd.s32 $0x1000, s0;
	_ =	swait.ge [sflag:s4], $0x10000  }
0x78: {  	s26 =	sshrl.u32 s8, $0x3;
	[sflag:s4] =	ssyncset.done $0x0  }
0x79: {  	s7 =	sadd.s32 s30, s26;
	[sflag:s4] =	ssyncadd.s32 $0xFFFF0000  }
0x7a: {  	[tilespmem:s3], [sflag:$0x2] =	stream.linear.gather [hbm4b:s7+s3], $0x200, $0x38;
	[tilespmem:$0x10200] =	vst v63  }
0x7b: {  	_ =	swait.ge [sflag:s4], $0x200  }
0x7c: {  	[sflag:s4] =	ssyncset.done $0x0  }
0x7d: {  	[sflag:s4] =	ssyncadd.s32 $0xFFFFFE00  }
0x7e: {  	[tilespmem:s5], [sflag:$0x1] =	stream.indirect.gather [hbm4b:s2+s5], $0x80, s3, s5, $0xb8;
	[tilespmem:$0x10200] =	vst v63  }
0x7f: {  	_ =	swait.ge [sflag:s6], $0x10000  }
0x80: {  	s8 =	sshll.u32 s8, $0x4;
	[sflag:s6] =	ssyncset.done $0x0  }
0x81: {  	s8 =	sadd.s32 s1, s8;
	[sflag:s6] =	ssyncadd.s32 $0xFFFF0000  }
0x82: {  	[hbm4b:s8+s3] =	stream.linear.scatter [tilespmem:s5], [sflag:$0x2], $0x10000, $0x38;
	[tilespmem:$0x10200] =	vst v63  }
0x83: {  	s10 =	sadd.s32 $0x1200, s0;
	_ =	swait.ge [sflag:s4], $0x10000  }
0x84: {  	s9 =	sshrl.u32 s10, $0x3;
	[sflag:s4] =	ssyncset.done $0x0  }
0x85: {  	s9 =	sadd.s32 s30, s9;
	[sflag:s4] =	ssyncadd.s32 $0xFFFF0000  }
0x86: {  	[tilespmem:s3], [sflag:$0x2] =	stream.linear.gather [hbm4b:s9+s3], $0x200, $0x38;
	[tilespmem:$0x10200] =	vst v63  }
0x87: {  	_ =	swait.ge [sflag:s4], $0x200  }
0x88: {  	[sflag:s4] =	ssyncset.done $0x0  }
0x89: {  	[sflag:s4] =	ssyncadd.s32 $0xFFFFFE00  }
0x8a: {  	[tilespmem:s5], [sflag:$0x1] =	stream.indirect.gather [hbm4b:s2+s5], $0x80, s3, s5, $0xb8;
	[tilespmem:$0x10200] =	vst v63  }
0x8b: {  	_ =	swait.ge [sflag:s6], $0x10000  }
0x8c: {  	s10 =	sshll.u32 s10, $0x4;
	[sflag:s6] =	ssyncset.done $0x0  }
0x8d: {  	s10 =	sadd.s32 s1, s10;
	[sflag:s6] =	ssyncadd.s32 $0xFFFF0000  }
0x8e: {  	[hbm4b:s10+s3] =	stream.linear.scatter [tilespmem:s5], [sflag:$0x2], $0x10000, $0x38;
	[tilespmem:$0x10200] =	vst v63  }
0x8f: {  	s12 =	sadd.s32 $0x1400, s0;
	_ =	swait.ge [sflag:s4], $0x10000  }
0x90: {  	s11 =	sshrl.u32 s12, $0x3;
	[sflag:s4] =	ssyncset.done $0x0  }
0x91: {  	s11 =	sadd.s32 s30, s11;
	[sflag:s4] =	ssyncadd.s32 $0xFFFF0000  }
0x92: {  	[tilespmem:s3], [sflag:$0x2] =	stream.linear.gather [hbm4b:s11+s3], $0x200, $0x38;
	[tilespmem:$0x10200] =	vst v63  }
0x93: {  	_ =	swait.ge [sflag:s4], $0x200  }
0x94: {  	[sflag:s4] =	ssyncset.done $0x0  }
0x95: {  	[sflag:s4] =	ssyncadd.s32 $0xFFFFFE00  }
0x96: {  	[tilespmem:s5], [sflag:$0x1] =	stream.indirect.gather [hbm4b:s2+s5], $0x80, s3, s5, $0xb8;
	[tilespmem:$0x10200] =	vst v63  }
0x97: {  	_ =	swait.ge [sflag:s6], $0x10000  }
0x98: {  	s12 =	sshll.u32 s12, $0x4;
	[sflag:s6] =	ssyncset.done $0x0  }
0x99: {  	s12 =	sadd.s32 s1, s12;
	[sflag:s6] =	ssyncadd.s32 $0xFFFF0000  }
0x9a: {  	[hbm4b:s12+s3] =	stream.linear.scatter [tilespmem:s5], [sflag:$0x2], $0x10000, $0x38;
	[tilespmem:$0x10200] =	vst v63  }
0x9b: {  	s14 =	sadd.s32 $0x1600, s0;
	_ =	swait.ge [sflag:s4], $0x10000  }
0x9c: {  	s13 =	sshrl.u32 s14, $0x3;
	[sflag:s4] =	ssyncset.done $0x0  }
0x9d: {  	s13 =	sadd.s32 s30, s13;
	[sflag:s4] =	ssyncadd.s32 $0xFFFF0000  }
0x9e: {  	[tilespmem:s3], [sflag:$0x2] =	stream.linear.gather [hbm4b:s13+s3], $0x200, $0x38;
	[tilespmem:$0x10200] =	vst v63  }
0x9f: {  	_ =	swait.ge [sflag:s4], $0x200  }
0xa0: {  	[sflag:s4] =	ssyncset.done $0x0  }
0xa1: {  	[sflag:s4] =	ssyncadd.s32 $0xFFFFFE00  }
0xa2: {  	[tilespmem:s5], [sflag:$0x1] =	stream.indirect.gather [hbm4b:s2+s5], $0x80, s3, s5, $0xb8;
	[tilespmem:$0x10200] =	vst v63  }
0xa3: {  	_ =	swait.ge [sflag:s6], $0x10000  }
0xa4: {  	s14 =	sshll.u32 s14, $0x4;
	[sflag:s6] =	ssyncset.done $0x0  }
0xa5: {  	s14 =	sadd.s32 s1, s14;
	[sflag:s6] =	ssyncadd.s32 $0xFFFF0000  }
0xa6: {  	[hbm4b:s14+s3] =	stream.linear.scatter [tilespmem:s5], [sflag:$0x2], $0x10000, $0x38;
	[tilespmem:$0x10200] =	vst v63  }
0xa7: {  	s16 =	sadd.s32 $0x1800, s0;
	_ =	swait.ge [sflag:s4], $0x10000  }
0xa8: {  	s15 =	sshrl.u32 s16, $0x3;
	[sflag:s4] =	ssyncset.done $0x0  }
0xa9: {  	s15 =	sadd.s32 s30, s15;
	[sflag:s4] =	ssyncadd.s32 $0xFFFF0000  }
0xaa: {  	[tilespmem:s3], [sflag:$0x2] =	stream.linear.gather [hbm4b:s15+s3], $0x200, $0x38;
	[tilespmem:$0x10200] =	vst v63  }
0xab: {  	_ =	swait.ge [sflag:s4], $0x200  }
0xac: {  	[sflag:s4] =	ssyncset.done $0x0  }
0xad: {  	[sflag:s4] =	ssyncadd.s32 $0xFFFFFE00  }
0xae: {  	[tilespmem:s5], [sflag:$0x1] =	stream.indirect.gather [hbm4b:s2+s5], $0x80, s3, s5, $0xb8;
	[tilespmem:$0x10200] =	vst v63  }
0xaf: {  	_ =	swait.ge [sflag:s6], $0x10000  }
0xb0: {  	s16 =	sshll.u32 s16, $0x4;
	[sflag:s6] =	ssyncset.done $0x0  }
0xb1: {  	s16 =	sadd.s32 s1, s16;
	[sflag:s6] =	ssyncadd.s32 $0xFFFF0000  }
0xb2: {  	[hbm4b:s16+s3] =	stream.linear.scatter [tilespmem:s5], [sflag:$0x2], $0x10000, $0x38;
	[tilespmem:$0x10200] =	vst v63  }
0xb3: {  	s18 =	sadd.s32 $0x1A00, s0;
	_ =	swait.ge [sflag:s4], $0x10000  }
0xb4: {  	s17 =	sshrl.u32 s18, $0x3;
	[sflag:s4] =	ssyncset.done $0x0  }
0xb5: {  	s17 =	sadd.s32 s30, s17;
	[sflag:s4] =	ssyncadd.s32 $0xFFFF0000  }
0xb6: {  	[tilespmem:s3], [sflag:$0x2] =	stream.linear.gather [hbm4b:s17+s3], $0x200, $0x38;
	[tilespmem:$0x10200] =	vst v63  }
0xb7: {  	_ =	swait.ge [sflag:s4], $0x200  }
0xb8: {  	[sflag:s4] =	ssyncset.done $0x0  }
0xb9: {  	[sflag:s4] =	ssyncadd.s32 $0xFFFFFE00  }
0xba: {  	[tilespmem:s5], [sflag:$0x1] =	stream.indirect.gather [hbm4b:s2+s5], $0x80, s3, s5, $0xb8;
	[tilespmem:$0x10200] =	vst v63  }
0xbb: {  	_ =	swait.ge [sflag:s6], $0x10000  }
0xbc: {  	s18 =	sshll.u32 s18, $0x4;
	[sflag:s6] =	ssyncset.done $0x0  }
0xbd: {  	s18 =	sadd.s32 s1, s18;
	[sflag:s6] =	ssyncadd.s32 $0xFFFF0000  }
0xbe: {  	[hbm4b:s18+s3] =	stream.linear.scatter [tilespmem:s5], [sflag:$0x2], $0x10000, $0x38;
	[tilespmem:$0x10200] =	vst v63  }
0xbf: {  	s20 =	sadd.s32 $0x1C00, s0;
	_ =	swait.ge [sflag:s4], $0x10000  }
0xc0: {  	s19 =	sshrl.u32 s20, $0x3;
	[sflag:s4] =	ssyncset.done $0x0  }
0xc1: {  	s19 =	sadd.s32 s30, s19;
	[sflag:s4] =	ssyncadd.s32 $0xFFFF0000  }
0xc2: {  	[tilespmem:s3], [sflag:$0x2] =	stream.linear.gather [hbm4b:s19+s3], $0x200, $0x38;
	[tilespmem:$0x10200] =	vst v63  }
0xc3: {  	_ =	swait.ge [sflag:s4], $0x200  }
0xc4: {  	[sflag:s4] =	ssyncset.done $0x0  }
0xc5: {  	[sflag:s4] =	ssyncadd.s32 $0xFFFFFE00  }
0xc6: {  	[tilespmem:s5], [sflag:$0x1] =	stream.indirect.gather [hbm4b:s2+s5], $0x80, s3, s5, $0xb8;
	[tilespmem:$0x10200] =	vst v63  }
0xc7: {  	_ =	swait.ge [sflag:s6], $0x10000  }
0xc8: {  	s20 =	sshll.u32 s20, $0x4;
	[sflag:s6] =	ssyncset.done $0x0  }
0xc9: {  	s20 =	sadd.s32 s1, s20;
	[sflag:s6] =	ssyncadd.s32 $0xFFFF0000  }
0xca: {  	[hbm4b:s20+s3] =	stream.linear.scatter [tilespmem:s5], [sflag:$0x2], $0x10000, $0x38;
	[tilespmem:$0x10200] =	vst v63  }
0xcb: {  	s22 =	sadd.s32 $0x1E00, s0;
	_ =	swait.ge [sflag:s4], $0x10000  }
0xcc: {  	s21 =	sshrl.u32 s22, $0x3;
	[sflag:s4] =	ssyncset.done $0x0  }
0xcd: {  	s21 =	sadd.s32 s30, s21;
	[sflag:s4] =	ssyncadd.s32 $0xFFFF0000  }
0xce: {  	[tilespmem:s3], [sflag:$0x2] =	stream.linear.gather [hbm4b:s21+s3], $0x200, $0x38;
	[tilespmem:$0x10200] =	vst v63  }
0xcf: {  	_ =	swait.ge [sflag:s4], $0x200  }
0xd0: {  	[sflag:s4] =	ssyncset.done $0x0  }
0xd1: {  	[sflag:s4] =	ssyncadd.s32 $0xFFFFFE00  }
0xd2: {  	[tilespmem:s5], [sflag:$0x1] =	stream.indirect.gather [hbm4b:s2+s5], $0x80, s3, s5, $0xb8;
	[tilespmem:$0x10200] =	vst v63  }
0xd3: {  	_ =	swait.ge [sflag:s6], $0x10000  }
0xd4: {  	s22 =	sshll.u32 s22, $0x4;
	[sflag:s6] =	ssyncset.done $0x0  }
0xd5: {  	s22 =	sadd.s32 s1, s22;
	[sflag:s6] =	ssyncadd.s32 $0xFFFF0000  }
0xd6: {  	[hbm4b:s22+s3] =	stream.linear.scatter [tilespmem:s5], [sflag:$0x2], $0x10000, $0x38;
	[tilespmem:$0x10200] =	vst v63  }
0xd7: {  	s24 =	sadd.s32 $0x2000, s0;
	_ =	swait.ge [sflag:s4], $0x10000  }
0xd8: {  	s23 =	sshrl.u32 s24, $0x3;
	[sflag:s4] =	ssyncset.done $0x0  }
0xd9: {  	s23 =	sadd.s32 s30, s23;
	[sflag:s4] =	ssyncadd.s32 $0xFFFF0000  }
0xda: {  	[tilespmem:s3], [sflag:$0x2] =	stream.linear.gather [hbm4b:s23+s3], $0x200, $0x38;
	[tilespmem:$0x10200] =	vst v63  }
0xdb: {  	_ =	swait.ge [sflag:s4], $0x200  }
0xdc: {  	[sflag:s4] =	ssyncset.done $0x0  }
0xdd: {  	[sflag:s4] =	ssyncadd.s32 $0xFFFFFE00  }
0xde: {  	[tilespmem:s5], [sflag:$0x1] =	stream.indirect.gather [hbm4b:s2+s5], $0x80, s3, s5, $0xb8;
	[tilespmem:$0x10200] =	vst v63  }
0xdf: {  	_ =	swait.ge [sflag:s6], $0x10000  }
0xe0: {  	s24 =	sshll.u32 s24, $0x4;
	[sflag:s6] =	ssyncset.done $0x0  }
0xe1: {  	s24 =	sadd.s32 s1, s24;
	[sflag:s6] =	ssyncadd.s32 $0xFFFF0000  }
0xe2: {  	[hbm4b:s24+s3] =	stream.linear.scatter [tilespmem:s5], [sflag:$0x2], $0x10000, $0x38;
	[tilespmem:$0x10200] =	vst v63  }
0xe3: {  	s26 =	sadd.s32 $0x2200, s0;
	_ =	swait.ge [sflag:s4], $0x10000  }
0xe4: {  	s25 =	sshrl.u32 s26, $0x3;
	[sflag:s4] =	ssyncset.done $0x0  }
0xe5: {  	s25 =	sadd.s32 s30, s25;
	[sflag:s4] =	ssyncadd.s32 $0xFFFF0000  }
0xe6: {  	[tilespmem:s3], [sflag:$0x2] =	stream.linear.gather [hbm4b:s25+s3], $0x200, $0x38;
	[tilespmem:$0x10200] =	vst v63  }
0xe7: {  	_ =	swait.ge [sflag:s4], $0x200  }
0xe8: {  	[sflag:s4] =	ssyncset.done $0x0  }
0xe9: {  	[sflag:s4] =	ssyncadd.s32 $0xFFFFFE00  }
0xea: {  	[tilespmem:s5], [sflag:$0x1] =	stream.indirect.gather [hbm4b:s2+s5], $0x80, s3, s5, $0xb8;
	[tilespmem:$0x10200] =	vst v63  }
0xeb: {  	_ =	swait.ge [sflag:s6], $0x10000  }
0xec: {  	s26 =	sshll.u32 s26, $0x4;
	[sflag:s6] =	ssyncset.done $0x0  }
0xed: {  	s26 =	sadd.s32 s1, s26;
	[sflag:s6] =	ssyncadd.s32 $0xFFFF0000  }
0xee: {  	[hbm4b:s26+s3] =	stream.linear.scatter [tilespmem:s5], [sflag:$0x2], $0x10000, $0x38;
	[tilespmem:$0x10200] =	vst v63  }
0xef: {  	s29 =	sadd.s32 $0x2400, s0;
	_ =	swait.ge [sflag:s4], $0x10000  }
0xf0: {  	s28 =	sshrl.u32 s29, $0x3;
	[sflag:s4] =	ssyncset.done $0x0  }
0xf1: {  	s28 =	sadd.s32 s30, s28;
	[sflag:s4] =	ssyncadd.s32 $0xFFFF0000  }
0xf2: {  	[tilespmem:s3], [sflag:$0x2] =	stream.linear.gather [hbm4b:s28+s3], $0x200, $0x38;
	[tilespmem:$0x10200] =	vst v63  }
0xf3: {  	_ =	swait.ge [sflag:s4], $0x200  }
0xf4: {  	[sflag:s4] =	ssyncset.done $0x0  }
0xf5: {  	[sflag:s4] =	ssyncadd.s32 $0xFFFFFE00  }
0xf6: {  	[tilespmem:s5], [sflag:$0x1] =	stream.indirect.gather [hbm4b:s2+s5], $0x80, s3, s5, $0xb8;
	[tilespmem:$0x10200] =	vst v63  }
0xf7: {  	_ =	swait.ge [sflag:s6], $0x10000  }
0xf8: {  	s29 =	sshll.u32 s29, $0x4;
	[sflag:s6] =	ssyncset.done $0x0  }
0xf9: {  	s29 =	sadd.s32 s1, s29;
	[sflag:s6] =	ssyncadd.s32 $0xFFFF0000  }
0xfa: {  	[hbm4b:s29+s3] =	stream.linear.scatter [tilespmem:s5], [sflag:$0x2], $0x10000, $0x38;
	[tilespmem:$0x10200] =	vst v63  }
0xfb: {  	s0 =	sadd.s32 $0x2600, s0;
	_ =	swait.ge [sflag:s4], $0x10000  }
0xfc: {  	s31 =	sshrl.u32 s0, $0x3;
	[sflag:s4] =	ssyncset.done $0x0  }
0xfd: {  	s30 =	sadd.s32 s30, s31;
	[sflag:s4] =	ssyncadd.s32 $0xFFFF0000  }
0xfe: {  	[tilespmem:s3], [sflag:$0x2] =	stream.linear.gather [hbm4b:s30+s3], $0x200, $0x38;
	[tilespmem:$0x10200] =	vst v63  }
0xff: {  	_ =	swait.ge [sflag:s4], $0x200  }
0x100: {  	[sflag:s4] =	ssyncset.done $0x0;
	s1 =	rddreg [dreg:$0x14]  }
0x101: {  	s31 =	ssub.s32 $0x2, s1;
	[sflag:s4] =	ssyncadd.s32 $0xFFFFFE00  }
0x102: {  	[tilespmem:s5], [sflag:$0x1] =	stream.indirect.gather [hbm4b:s2+s5], $0x80, s3, s5, $0xb8;
	[tilespmem:$0x10200] =	vst v63  }
0x103: {  	s1 =	sshrl.u32 s31, $0x1  }
0x104: {  	s1 =	ssub.s32 s31, s1  }
0x105: {  	s1 =	smax.u32 s1, $0x1  }
0x106: {  	_ =	swait.ge [sflag:s6], $0x10000;
	p0 =	sne.s32 s1, $0x1  }
.Ltmp0:
0x107: {  	[sflag:s6] =	ssyncset.done $0x0;
	(pc) =	sbr.rel @!p0 .LBB2_2-.Ltmp0, $4  }
0x108: {  	s0 =	sshll.u32 s0, $0x4;
	s31 =	rddreg [dreg:$0x2]  }
0x109: {  	[sflag:s6] =	ssyncadd.s32 $0xFFFF0000;
	s31 =	sadd.s32 s31, s0  }
0x10a: {  	[hbm4b:s31+s3] =	stream.linear.scatter [tilespmem:s5], [sflag:$0x2], $0x10000, $0x38;
	[tilespmem:$0x10200] =	vst v63  }
0x10b: {  	s1 =	sadd.s32 $0xFFFFFFFF, s1;
	_ =	swait.ge [sflag:s4], $0x10000  }
.LBB2_1:
0x10c: {  	[sflag:s4] =	ssyncset.done $0x0  }
0x10d: {  	s0 =	rddreg [dreg:$0x4];
	[sflag:s4] =	ssyncadd.s32 $0xFFFF0000  }
0x10e: {  	[tilespmem:s3], [sflag:$0x2] =	stream.linear.gather [hbm4b:s0+s3], $0x200, $0x38;
	[tilespmem:$0x10200] =	vst v63  }
0x10f: {  	_ =	swait.ge [sflag:s4], $0x200  }
0x110: {  	[sflag:s4] =	ssyncset.done $0x0  }
0x111: {  	[sflag:s4] =	ssyncadd.s32 $0xFFFFFE00  }
0x112: {  	[tilespmem:s5], [sflag:$0x1] =	stream.indirect.gather [hbm4b:s2+s5], $0x80, s3, s5, $0xb8;
	[tilespmem:$0x10200] =	vst v63  }
0x113: {  	_ =	swait.ge [sflag:s6], $0x10000  }
0x114: {  	[sflag:s6] =	ssyncset.done $0x0  }
0x115: {  	s0 =	rddreg [dreg:$0x5];
	[sflag:s6] =	ssyncadd.s32 $0xFFFF0000  }
0x116: {  	[hbm4b:s0+s3] =	stream.linear.scatter [tilespmem:s5], [sflag:$0x2], $0x10000, $0x38;
	[tilespmem:$0x10200] =	vst v63  }
0x117: {  	_ =	swait.ge [sflag:s4], $0x10000  }
0x118: {  	[sflag:s4] =	ssyncset.done $0x0  }
0x119: {  	s0 =	rddreg [dreg:$0x6];
	[sflag:s4] =	ssyncadd.s32 $0xFFFF0000  }
0x11a: {  	[tilespmem:s3], [sflag:$0x2] =	stream.linear.gather [hbm4b:s0+s3], $0x200, $0x38;
	[tilespmem:$0x10200] =	vst v63  }
0x11b: {  	_ =	swait.ge [sflag:s4], $0x200  }
0x11c: {  	[sflag:s4] =	ssyncset.done $0x0  }
0x11d: {  	[sflag:s4] =	ssyncadd.s32 $0xFFFFFE00  }
0x11e: {  	[tilespmem:s5], [sflag:$0x1] =	stream.indirect.gather [hbm4b:s2+s5], $0x80, s3, s5, $0xb8;
	[tilespmem:$0x10200] =	vst v63  }
0x11f: {  	_ =	swait.ge [sflag:s6], $0x10000  }
0x120: {  	[sflag:s6] =	ssyncset.done $0x0  }
0x121: {  	s0 =	rddreg [dreg:$0x7];
	[sflag:s6] =	ssyncadd.s32 $0xFFFF0000  }
0x122: {  	[hbm4b:s0+s3] =	stream.linear.scatter [tilespmem:s5], [sflag:$0x2], $0x10000, $0x38;
	[tilespmem:$0x10200] =	vst v63  }
0x123: {  	_ =	swait.ge [sflag:s4], $0x10000  }
0x124: {  	[sflag:s4] =	ssyncset.done $0x0  }
0x125: {  	s0 =	rddreg [dreg:$0x8];
	[sflag:s4] =	ssyncadd.s32 $0xFFFF0000  }
0x126: {  	[tilespmem:s3], [sflag:$0x2] =	stream.linear.gather [hbm4b:s0+s3], $0x200, $0x38;
	[tilespmem:$0x10200] =	vst v63  }
0x127: {  	_ =	swait.ge [sflag:s4], $0x200  }
0x128: {  	[sflag:s4] =	ssyncset.done $0x0  }
0x129: {  	[sflag:s4] =	ssyncadd.s32 $0xFFFFFE00  }
0x12a: {  	[tilespmem:s5], [sflag:$0x1] =	stream.indirect.gather [hbm4b:s2+s5], $0x80, s3, s5, $0xb8;
	[tilespmem:$0x10200] =	vst v63  }
0x12b: {  	_ =	swait.ge [sflag:s6], $0x10000  }
0x12c: {  	[sflag:s6] =	ssyncset.done $0x0  }
0x12d: {  	s0 =	rddreg [dreg:$0x9];
	[sflag:s6] =	ssyncadd.s32 $0xFFFF0000  }
0x12e: {  	[hbm4b:s0+s3] =	stream.linear.scatter [tilespmem:s5], [sflag:$0x2], $0x10000, $0x38;
	[tilespmem:$0x10200] =	vst v63  }
0x12f: {  	_ =	swait.ge [sflag:s4], $0x10000  }
0x130: {  	[sflag:s4] =	ssyncset.done $0x0  }
0x131: {  	s0 =	rddreg [dreg:$0xa];
	[sflag:s4] =	ssyncadd.s32 $0xFFFF0000  }
0x132: {  	[tilespmem:s3], [sflag:$0x2] =	stream.linear.gather [hbm4b:s0+s3], $0x200, $0x38;
	[tilespmem:$0x10200] =	vst v63  }
0x133: {  	_ =	swait.ge [sflag:s4], $0x200  }
0x134: {  	[sflag:s4] =	ssyncset.done $0x0  }
0x135: {  	[sflag:s4] =	ssyncadd.s32 $0xFFFFFE00  }
0x136: {  	[tilespmem:s5], [sflag:$0x1] =	stream.indirect.gather [hbm4b:s2+s5], $0x80, s3, s5, $0xb8;
	[tilespmem:$0x10200] =	vst v63  }
0x137: {  	_ =	swait.ge [sflag:s6], $0x10000  }
0x138: {  	[sflag:s6] =	ssyncset.done $0x0  }
0x139: {  	s0 =	rddreg [dreg:$0xb];
	[sflag:s6] =	ssyncadd.s32 $0xFFFF0000  }
0x13a: {  	[hbm4b:s0+s3] =	stream.linear.scatter [tilespmem:s5], [sflag:$0x2], $0x10000, $0x38;
	[tilespmem:$0x10200] =	vst v63  }
0x13b: {  	_ =	swait.ge [sflag:s4], $0x10000  }
0x13c: {  	[sflag:s4] =	ssyncset.done $0x0  }
0x13d: {  	s0 =	rddreg [dreg:$0xc];
	[sflag:s4] =	ssyncadd.s32 $0xFFFF0000  }
0x13e: {  	[tilespmem:s3], [sflag:$0x2] =	stream.linear.gather [hbm4b:s0+s3], $0x200, $0x38;
	[tilespmem:$0x10200] =	vst v63  }
0x13f: {  	_ =	swait.ge [sflag:s4], $0x200  }
0x140: {  	[sflag:s4] =	ssyncset.done $0x0  }
0x141: {  	[sflag:s4] =	ssyncadd.s32 $0xFFFFFE00  }
0x142: {  	[tilespmem:s5], [sflag:$0x1] =	stream.indirect.gather [hbm4b:s2+s5], $0x80, s3, s5, $0xb8;
	[tilespmem:$0x10200] =	vst v63  }
0x143: {  	_ =	swait.ge [sflag:s6], $0x10000  }
0x144: {  	[sflag:s6] =	ssyncset.done $0x0  }
0x145: {  	s0 =	rddreg [dreg:$0xd];
	[sflag:s6] =	ssyncadd.s32 $0xFFFF0000  }
0x146: {  	[hbm4b:s0+s3] =	stream.linear.scatter [tilespmem:s5], [sflag:$0x2], $0x10000, $0x38;
	[tilespmem:$0x10200] =	vst v63  }
0x147: {  	_ =	swait.ge [sflag:s4], $0x10000  }
0x148: {  	[sflag:s4] =	ssyncset.done $0x0  }
0x149: {  	s0 =	rddreg [dreg:$0xe];
	[sflag:s4] =	ssyncadd.s32 $0xFFFF0000  }
0x14a: {  	[tilespmem:s3], [sflag:$0x2] =	stream.linear.gather [hbm4b:s0+s3], $0x200, $0x38;
	[tilespmem:$0x10200] =	vst v63  }
0x14b: {  	_ =	swait.ge [sflag:s4], $0x200  }
0x14c: {  	[sflag:s4] =	ssyncset.done $0x0  }
0x14d: {  	[sflag:s4] =	ssyncadd.s32 $0xFFFFFE00  }
0x14e: {  	[tilespmem:s5], [sflag:$0x1] =	stream.indirect.gather [hbm4b:s2+s5], $0x80, s3, s5, $0xb8;
	[tilespmem:$0x10200] =	vst v63  }
0x14f: {  	_ =	swait.ge [sflag:s6], $0x10000  }
0x150: {  	[sflag:s6] =	ssyncset.done $0x0  }
0x151: {  	s0 =	rddreg [dreg:$0xf];
	[sflag:s6] =	ssyncadd.s32 $0xFFFF0000  }
0x152: {  	[hbm4b:s0+s3] =	stream.linear.scatter [tilespmem:s5], [sflag:$0x2], $0x10000, $0x38;
	[tilespmem:$0x10200] =	vst v63  }
0x153: {  	_ =	swait.ge [sflag:s4], $0x10000  }
0x154: {  	[sflag:s4] =	ssyncset.done $0x0  }
0x155: {  	s0 =	rddreg [dreg:$0x10];
	[sflag:s4] =	ssyncadd.s32 $0xFFFF0000  }
0x156: {  	[tilespmem:s3], [sflag:$0x2] =	stream.linear.gather [hbm4b:s0+s3], $0x200, $0x38;
	[tilespmem:$0x10200] =	vst v63  }
0x157: {  	_ =	swait.ge [sflag:s4], $0x200  }
0x158: {  	[sflag:s4] =	ssyncset.done $0x0  }
0x159: {  	[sflag:s4] =	ssyncadd.s32 $0xFFFFFE00  }
0x15a: {  	[tilespmem:s5], [sflag:$0x1] =	stream.indirect.gather [hbm4b:s2+s5], $0x80, s3, s5, $0xb8;
	[tilespmem:$0x10200] =	vst v63  }
0x15b: {  	_ =	swait.ge [sflag:s6], $0x10000  }
0x15c: {  	[sflag:s6] =	ssyncset.done $0x0  }
0x15d: {  	s0 =	rddreg [dreg:$0x11];
	[sflag:s6] =	ssyncadd.s32 $0xFFFF0000  }
0x15e: {  	[hbm4b:s0+s3] =	stream.linear.scatter [tilespmem:s5], [sflag:$0x2], $0x10000, $0x38;
	[tilespmem:$0x10200] =	vst v63  }
0x15f: {  	_ =	swait.ge [sflag:s4], $0x10000  }
0x160: {  	[sflag:s4] =	ssyncset.done $0x0  }
0x161: {  	s0 =	rddreg [dreg:$0x12];
	[sflag:s4] =	ssyncadd.s32 $0xFFFF0000  }
0x162: {  	[tilespmem:s3], [sflag:$0x2] =	stream.linear.gather [hbm4b:s0+s3], $0x200, $0x38;
	[tilespmem:$0x10200] =	vst v63  }
0x163: {  	_ =	swait.ge [sflag:s4], $0x200  }
0x164: {  	[sflag:s4] =	ssyncset.done $0x0  }
0x165: {  	[sflag:s4] =	ssyncadd.s32 $0xFFFFFE00  }
0x166: {  	[tilespmem:s5], [sflag:$0x1] =	stream.indirect.gather [hbm4b:s2+s5], $0x80, s3, s5, $0xb8;
	[tilespmem:$0x10200] =	vst v63  }
0x167: {  	_ =	swait.ge [sflag:s6], $0x10000  }
0x168: {  	[sflag:s6] =	ssyncset.done $0x0  }
0x169: {  	s0 =	rddreg [dreg:$0x13];
	[sflag:s6] =	ssyncadd.s32 $0xFFFF0000  }
0x16a: {  	[hbm4b:s0+s3] =	stream.linear.scatter [tilespmem:s5], [sflag:$0x2], $0x10000, $0x38;
	[tilespmem:$0x10200] =	vst v63  }
0x16b: {  	_ =	swait.ge [sflag:s4], $0x10000  }
0x16c: {  	[sflag:s4] =	ssyncset.done $0x0  }
0x16d: {  	[sflag:s4] =	ssyncadd.s32 $0xFFFF0000  }
0x16e: {  	[tilespmem:s3], [sflag:$0x2] =	stream.linear.gather [hbm4b:s7+s3], $0x200, $0x38;
	[tilespmem:$0x10200] =	vst v63  }
0x16f: {  	_ =	swait.ge [sflag:s4], $0x200  }
0x170: {  	[sflag:s4] =	ssyncset.done $0x0  }
0x171: {  	[sflag:s4] =	ssyncadd.s32 $0xFFFFFE00  }
0x172: {  	[tilespmem:s5], [sflag:$0x1] =	stream.indirect.gather [hbm4b:s2+s5], $0x80, s3, s5, $0xb8;
	[tilespmem:$0x10200] =	vst v63  }
0x173: {  	_ =	swait.ge [sflag:s6], $0x10000  }
0x174: {  	[sflag:s6] =	ssyncset.done $0x0  }
0x175: {  	[sflag:s6] =	ssyncadd.s32 $0xFFFF0000  }
0x176: {  	[hbm4b:s8+s3] =	stream.linear.scatter [tilespmem:s5], [sflag:$0x2], $0x10000, $0x38;
	[tilespmem:$0x10200] =	vst v63  }
0x177: {  	_ =	swait.ge [sflag:s4], $0x10000  }
0x178: {  	[sflag:s4] =	ssyncset.done $0x0  }
0x179: {  	[sflag:s4] =	ssyncadd.s32 $0xFFFF0000  }
0x17a: {  	[tilespmem:s3], [sflag:$0x2] =	stream.linear.gather [hbm4b:s9+s3], $0x200, $0x38;
	[tilespmem:$0x10200] =	vst v63  }
0x17b: {  	_ =	swait.ge [sflag:s4], $0x200  }
0x17c: {  	[sflag:s4] =	ssyncset.done $0x0  }
0x17d: {  	[sflag:s4] =	ssyncadd.s32 $0xFFFFFE00  }
0x17e: {  	[tilespmem:s5], [sflag:$0x1] =	stream.indirect.gather [hbm4b:s2+s5], $0x80, s3, s5, $0xb8;
	[tilespmem:$0x10200] =	vst v63  }
0x17f: {  	_ =	swait.ge [sflag:s6], $0x10000  }
0x180: {  	[sflag:s6] =	ssyncset.done $0x0  }
0x181: {  	[sflag:s6] =	ssyncadd.s32 $0xFFFF0000  }
0x182: {  	[hbm4b:s10+s3] =	stream.linear.scatter [tilespmem:s5], [sflag:$0x2], $0x10000, $0x38;
	[tilespmem:$0x10200] =	vst v63  }
0x183: {  	_ =	swait.ge [sflag:s4], $0x10000  }
0x184: {  	[sflag:s4] =	ssyncset.done $0x0  }
0x185: {  	[sflag:s4] =	ssyncadd.s32 $0xFFFF0000  }
0x186: {  	[tilespmem:s3], [sflag:$0x2] =	stream.linear.gather [hbm4b:s11+s3], $0x200, $0x38;
	[tilespmem:$0x10200] =	vst v63  }
0x187: {  	_ =	swait.ge [sflag:s4], $0x200  }
0x188: {  	[sflag:s4] =	ssyncset.done $0x0  }
0x189: {  	[sflag:s4] =	ssyncadd.s32 $0xFFFFFE00  }
0x18a: {  	[tilespmem:s5], [sflag:$0x1] =	stream.indirect.gather [hbm4b:s2+s5], $0x80, s3, s5, $0xb8;
	[tilespmem:$0x10200] =	vst v63  }
0x18b: {  	_ =	swait.ge [sflag:s6], $0x10000  }
0x18c: {  	[sflag:s6] =	ssyncset.done $0x0  }
0x18d: {  	[sflag:s6] =	ssyncadd.s32 $0xFFFF0000  }
0x18e: {  	[hbm4b:s12+s3] =	stream.linear.scatter [tilespmem:s5], [sflag:$0x2], $0x10000, $0x38;
	[tilespmem:$0x10200] =	vst v63  }
0x18f: {  	_ =	swait.ge [sflag:s4], $0x10000  }
0x190: {  	[sflag:s4] =	ssyncset.done $0x0  }
0x191: {  	[sflag:s4] =	ssyncadd.s32 $0xFFFF0000  }
0x192: {  	[tilespmem:s3], [sflag:$0x2] =	stream.linear.gather [hbm4b:s13+s3], $0x200, $0x38;
	[tilespmem:$0x10200] =	vst v63  }
0x193: {  	_ =	swait.ge [sflag:s4], $0x200  }
0x194: {  	[sflag:s4] =	ssyncset.done $0x0  }
0x195: {  	[sflag:s4] =	ssyncadd.s32 $0xFFFFFE00  }
0x196: {  	[tilespmem:s5], [sflag:$0x1] =	stream.indirect.gather [hbm4b:s2+s5], $0x80, s3, s5, $0xb8;
	[tilespmem:$0x10200] =	vst v63  }
0x197: {  	_ =	swait.ge [sflag:s6], $0x10000  }
0x198: {  	[sflag:s6] =	ssyncset.done $0x0  }
0x199: {  	[sflag:s6] =	ssyncadd.s32 $0xFFFF0000  }
0x19a: {  	[hbm4b:s14+s3] =	stream.linear.scatter [tilespmem:s5], [sflag:$0x2], $0x10000, $0x38;
	[tilespmem:$0x10200] =	vst v63  }
0x19b: {  	_ =	swait.ge [sflag:s4], $0x10000  }
0x19c: {  	[sflag:s4] =	ssyncset.done $0x0  }
0x19d: {  	[sflag:s4] =	ssyncadd.s32 $0xFFFF0000  }
0x19e: {  	[tilespmem:s3], [sflag:$0x2] =	stream.linear.gather [hbm4b:s15+s3], $0x200, $0x38;
	[tilespmem:$0x10200] =	vst v63  }
0x19f: {  	_ =	swait.ge [sflag:s4], $0x200  }
0x1a0: {  	[sflag:s4] =	ssyncset.done $0x0  }
0x1a1: {  	[sflag:s4] =	ssyncadd.s32 $0xFFFFFE00  }
0x1a2: {  	[tilespmem:s5], [sflag:$0x1] =	stream.indirect.gather [hbm4b:s2+s5], $0x80, s3, s5, $0xb8;
	[tilespmem:$0x10200] =	vst v63  }
0x1a3: {  	_ =	swait.ge [sflag:s6], $0x10000  }
0x1a4: {  	[sflag:s6] =	ssyncset.done $0x0  }
0x1a5: {  	[sflag:s6] =	ssyncadd.s32 $0xFFFF0000  }
0x1a6: {  	[hbm4b:s16+s3] =	stream.linear.scatter [tilespmem:s5], [sflag:$0x2], $0x10000, $0x38;
	[tilespmem:$0x10200] =	vst v63  }
0x1a7: {  	_ =	swait.ge [sflag:s4], $0x10000  }
0x1a8: {  	[sflag:s4] =	ssyncset.done $0x0  }
0x1a9: {  	[sflag:s4] =	ssyncadd.s32 $0xFFFF0000  }
0x1aa: {  	[tilespmem:s3], [sflag:$0x2] =	stream.linear.gather [hbm4b:s17+s3], $0x200, $0x38;
	[tilespmem:$0x10200] =	vst v63  }
0x1ab: {  	_ =	swait.ge [sflag:s4], $0x200  }
0x1ac: {  	[sflag:s4] =	ssyncset.done $0x0  }
0x1ad: {  	[sflag:s4] =	ssyncadd.s32 $0xFFFFFE00  }
0x1ae: {  	[tilespmem:s5], [sflag:$0x1] =	stream.indirect.gather [hbm4b:s2+s5], $0x80, s3, s5, $0xb8;
	[tilespmem:$0x10200] =	vst v63  }
0x1af: {  	_ =	swait.ge [sflag:s6], $0x10000  }
0x1b0: {  	[sflag:s6] =	ssyncset.done $0x0  }
0x1b1: {  	[sflag:s6] =	ssyncadd.s32 $0xFFFF0000  }
0x1b2: {  	[hbm4b:s18+s3] =	stream.linear.scatter [tilespmem:s5], [sflag:$0x2], $0x10000, $0x38;
	[tilespmem:$0x10200] =	vst v63  }
0x1b3: {  	_ =	swait.ge [sflag:s4], $0x10000  }
0x1b4: {  	[sflag:s4] =	ssyncset.done $0x0  }
0x1b5: {  	[sflag:s4] =	ssyncadd.s32 $0xFFFF0000  }
0x1b6: {  	[tilespmem:s3], [sflag:$0x2] =	stream.linear.gather [hbm4b:s19+s3], $0x200, $0x38;
	[tilespmem:$0x10200] =	vst v63  }
0x1b7: {  	_ =	swait.ge [sflag:s4], $0x200  }
0x1b8: {  	[sflag:s4] =	ssyncset.done $0x0  }
0x1b9: {  	[sflag:s4] =	ssyncadd.s32 $0xFFFFFE00  }
0x1ba: {  	[tilespmem:s5], [sflag:$0x1] =	stream.indirect.gather [hbm4b:s2+s5], $0x80, s3, s5, $0xb8;
	[tilespmem:$0x10200] =	vst v63  }
0x1bb: {  	_ =	swait.ge [sflag:s6], $0x10000  }
0x1bc: {  	[sflag:s6] =	ssyncset.done $0x0  }
0x1bd: {  	[sflag:s6] =	ssyncadd.s32 $0xFFFF0000  }
0x1be: {  	[hbm4b:s20+s3] =	stream.linear.scatter [tilespmem:s5], [sflag:$0x2], $0x10000, $0x38;
	[tilespmem:$0x10200] =	vst v63  }
0x1bf: {  	_ =	swait.ge [sflag:s4], $0x10000  }
0x1c0: {  	[sflag:s4] =	ssyncset.done $0x0  }
0x1c1: {  	[sflag:s4] =	ssyncadd.s32 $0xFFFF0000  }
0x1c2: {  	[tilespmem:s3], [sflag:$0x2] =	stream.linear.gather [hbm4b:s21+s3], $0x200, $0x38;
	[tilespmem:$0x10200] =	vst v63  }
0x1c3: {  	_ =	swait.ge [sflag:s4], $0x200  }
0x1c4: {  	[sflag:s4] =	ssyncset.done $0x0  }
0x1c5: {  	[sflag:s4] =	ssyncadd.s32 $0xFFFFFE00  }
0x1c6: {  	[tilespmem:s5], [sflag:$0x1] =	stream.indirect.gather [hbm4b:s2+s5], $0x80, s3, s5, $0xb8;
	[tilespmem:$0x10200] =	vst v63  }
0x1c7: {  	_ =	swait.ge [sflag:s6], $0x10000  }
0x1c8: {  	[sflag:s6] =	ssyncset.done $0x0  }
0x1c9: {  	[sflag:s6] =	ssyncadd.s32 $0xFFFF0000  }
0x1ca: {  	[hbm4b:s22+s3] =	stream.linear.scatter [tilespmem:s5], [sflag:$0x2], $0x10000, $0x38;
	[tilespmem:$0x10200] =	vst v63  }
0x1cb: {  	_ =	swait.ge [sflag:s4], $0x10000  }
0x1cc: {  	[sflag:s4] =	ssyncset.done $0x0  }
0x1cd: {  	[sflag:s4] =	ssyncadd.s32 $0xFFFF0000  }
0x1ce: {  	[tilespmem:s3], [sflag:$0x2] =	stream.linear.gather [hbm4b:s23+s3], $0x200, $0x38;
	[tilespmem:$0x10200] =	vst v63  }
0x1cf: {  	_ =	swait.ge [sflag:s4], $0x200  }
0x1d0: {  	[sflag:s4] =	ssyncset.done $0x0  }
0x1d1: {  	[sflag:s4] =	ssyncadd.s32 $0xFFFFFE00  }
0x1d2: {  	[tilespmem:s5], [sflag:$0x1] =	stream.indirect.gather [hbm4b:s2+s5], $0x80, s3, s5, $0xb8;
	[tilespmem:$0x10200] =	vst v63  }
0x1d3: {  	_ =	swait.ge [sflag:s6], $0x10000  }
0x1d4: {  	[sflag:s6] =	ssyncset.done $0x0  }
0x1d5: {  	[sflag:s6] =	ssyncadd.s32 $0xFFFF0000  }
0x1d6: {  	[hbm4b:s24+s3] =	stream.linear.scatter [tilespmem:s5], [sflag:$0x2], $0x10000, $0x38;
	[tilespmem:$0x10200] =	vst v63  }
0x1d7: {  	_ =	swait.ge [sflag:s4], $0x10000  }
0x1d8: {  	[sflag:s4] =	ssyncset.done $0x0  }
0x1d9: {  	[sflag:s4] =	ssyncadd.s32 $0xFFFF0000  }
0x1da: {  	[tilespmem:s3], [sflag:$0x2] =	stream.linear.gather [hbm4b:s25+s3], $0x200, $0x38;
	[tilespmem:$0x10200] =	vst v63  }
0x1db: {  	_ =	swait.ge [sflag:s4], $0x200  }
0x1dc: {  	[sflag:s4] =	ssyncset.done $0x0  }
0x1dd: {  	[sflag:s4] =	ssyncadd.s32 $0xFFFFFE00  }
0x1de: {  	[tilespmem:s5], [sflag:$0x1] =	stream.indirect.gather [hbm4b:s2+s5], $0x80, s3, s5, $0xb8;
	[tilespmem:$0x10200] =	vst v63  }
0x1df: {  	_ =	swait.ge [sflag:s6], $0x10000  }
0x1e0: {  	[sflag:s6] =	ssyncset.done $0x0  }
0x1e1: {  	[sflag:s6] =	ssyncadd.s32 $0xFFFF0000  }
0x1e2: {  	[hbm4b:s26+s3] =	stream.linear.scatter [tilespmem:s5], [sflag:$0x2], $0x10000, $0x38;
	[tilespmem:$0x10200] =	vst v63  }
0x1e3: {  	_ =	swait.ge [sflag:s4], $0x10000  }
0x1e4: {  	[sflag:s4] =	ssyncset.done $0x0  }
0x1e5: {  	[sflag:s4] =	ssyncadd.s32 $0xFFFF0000  }
0x1e6: {  	[tilespmem:s3], [sflag:$0x2] =	stream.linear.gather [hbm4b:s28+s3], $0x200, $0x38;
	[tilespmem:$0x10200] =	vst v63  }
0x1e7: {  	_ =	swait.ge [sflag:s4], $0x200  }
0x1e8: {  	[sflag:s4] =	ssyncset.done $0x0  }
0x1e9: {  	[sflag:s4] =	ssyncadd.s32 $0xFFFFFE00  }
0x1ea: {  	[tilespmem:s5], [sflag:$0x1] =	stream.indirect.gather [hbm4b:s2+s5], $0x80, s3, s5, $0xb8;
	[tilespmem:$0x10200] =	vst v63  }
0x1eb: {  	_ =	swait.ge [sflag:s6], $0x10000  }
0x1ec: {  	[sflag:s6] =	ssyncset.done $0x0  }
0x1ed: {  	[sflag:s6] =	ssyncadd.s32 $0xFFFF0000  }
0x1ee: {  	[hbm4b:s29+s3] =	stream.linear.scatter [tilespmem:s5], [sflag:$0x2], $0x10000, $0x38;
	[tilespmem:$0x10200] =	vst v63  }
0x1ef: {  	_ =	swait.ge [sflag:s4], $0x10000  }
0x1f0: {  	[sflag:s4] =	ssyncset.done $0x0  }
0x1f1: {  	[sflag:s4] =	ssyncadd.s32 $0xFFFF0000  }
0x1f2: {  	[tilespmem:s3], [sflag:$0x2] =	stream.linear.gather [hbm4b:s30+s3], $0x200, $0x38;
	[tilespmem:$0x10200] =	vst v63  }
0x1f3: {  	_ =	swait.ge [sflag:s4], $0x200  }
0x1f4: {  	[sflag:s4] =	ssyncset.done $0x0  }
0x1f5: {  	p0 =	sne.s32 s1, $0x1;
	[sflag:s4] =	ssyncadd.s32 $0xFFFFFE00  }
0x1f6: {  	[tilespmem:s5], [sflag:$0x1] =	stream.indirect.gather [hbm4b:s2+s5], $0x80, s3, s5, $0xb8;
	[tilespmem:$0x10200] =	vst v63  }
.Ltmp1:
0x1f7: {  	_ =	swait.ge [sflag:s6], $0x10000;
	(pc) =	sbr.rel @p0 .LBB2_1-.Ltmp1, $4  }
0x1f8: {  	[sflag:s6] =	ssyncset.done $0x0  }
0x1f9: {  	[sflag:s6] =	ssyncadd.s32 $0xFFFF0000  }
0x1fa: {  	[hbm4b:s31+s3] =	stream.linear.scatter [tilespmem:s5], [sflag:$0x2], $0x10000, $0x38;
	[tilespmem:$0x10200] =	vst v63  }
0x1fb: {  	s1 =	sadd.s32 $0xFFFFFFFF, s1;
	_ =	swait.ge [sflag:s4], $0x10000  }
.LBB2_2:
0x1fc: {  	[sflag:s4] =	ssyncset.done $0x0  }
0x1fd: {  	[sflag:s4] =	ssyncadd.s32 $0xFFFF0000  }
0x1fe: {  	_ =	sfence.sel $0x180000  }
0x1ff: {  	[bflag:$0x0] =	sbarrier.arrive $0xFFFF  }
0x200: {  	_ =	strace $0x90000047  }
0x201: {  	s0 =	stileid.u32;
	[bflag:$0x2] =	sbarrier.arrive $0xFFFF  }
0x202: {  	p0 =	sne.s32 s0, $0x0;
	s0 =	rddreg [dreg:$0x3]  }
0x203: {  	s0 =	sadd.s32 @!p0 $0x100000, s0  }
0x204: {  	[sflag:s0] =	ssyncadd.tile.s32 @!p0 $0x1;
	_ =	shalt  }
.Lfunc_end2:
_tile_overlayer_lowered:
.L_overlay_start_2:
0x205: {  	(tag) =	ssettag $0x2  }
0x206: {  	s0 =	rddreg [dreg:$0x0];
	s2 =	stileid.u32  }
0x207: {  	s1 =	rddreg [dreg:$0x1];
	p0 =	sne.s32 s2, $0x0  }
0x208: {  	s3 =	rddreg [dreg:$0x2];
	[bflag:$0x3] =	sbarrier.arrive $0xFFFF;
	s2 =	simm.s32 @!p0 $0x1C02  }
0x209: {  	[timem:s3], [sflag:s2] =	dma.local @!p0 [hbm:s0], s1  }
0x20a: {  	s0 =	simm.s32 @!p0 $0x2  }
0x20b: {  	_ =	swait.ge @!p0 [sflag:s0], s1  }
0x20c: {  	s1 =	ssub.s32 @!p0 $0x0, s1;
	[sflag:s0] =	ssyncset.done @!p0 $0x0  }
0x20d: {  	[sflag:s0] =	ssyncadd.s32 @!p0 s1  }
0x20e: {  	[bflag:$0x3] =	sbarrier.arrive $0xFFFF  }
0x20f: {  	_ =	shalt  }

</sc_bundles>
